<compile_context>
chip_gen: v7x
topology: tpu7x:2x2x1
jax: 0.10.2.dev20260603
libtpu: 0.0.44.dev20260713+nightly
codegen_flags: <defaults>
</compile_context>

<pallas_src>
import functools

import jax
import jax.numpy as jnp
from jax import lax
from jax.experimental import pallas as pl
from jax.experimental.pallas import tpu as pltpu
from jax.experimental.pallas import tpu_sc as plsc

N = 10000
E = 320000
D = 128
H = 128
O = 128
R = 8

NC = 2
NS = 16
NW = NC * NS
CH = 128
GC = 8
NGRP = 10
KCH = GC * NGRP
EPW = KCH * CH
E2 = NW * EPW
NPAD = 10240
RPT = NPAD // NS


def _table_block(x_ref, w_ref, o_ref):
    o_ref[...] = jnp.dot(x_ref[...], w_ref[...],
                         preferred_element_type=jnp.float32)


def _compute_table(x, W_rel):
    w4 = W_rel.reshape(R * D, O)
    return pl.pallas_call(
        _table_block,
        grid=(R,),
        in_specs=[
            pl.BlockSpec((N, D), lambda r: (0, 0)),
            pl.BlockSpec((D, O), lambda r: (r, 0)),
        ],
        out_specs=pl.BlockSpec((N, O), lambda r: (r, 0)),
        out_shape=jax.ShapeDtypeStruct((R * N, O), jnp.float32),
    )(x, w4)


ER = E // 128
ER2 = E2 // 128


def _comb_block(eisrc_ref, eidst_ref, et_ref, comb_ref, dsto_ref):
    src = eisrc_ref[0]
    dst = eidst_ref[0]
    et = et_ref[...]
    comb_ref[pl.ds(0, ER), :] = et * N + src
    dsto_ref[pl.ds(0, ER), :] = dst
    flat = (lax.broadcasted_iota(jnp.int32, (ER2 - ER, 128), 0) * 128
            + lax.broadcasted_iota(jnp.int32, (ER2 - ER, 128), 1))
    comb_ref[pl.ds(ER, ER2 - ER), :] = flat
    dsto_ref[pl.ds(ER, ER2 - ER), :] = N + flat % (NPAD - N)


def _compute_comb(edge_index, edges_type):
    ei3 = edge_index.reshape(2, ER, 128)
    et2 = edges_type.reshape(ER, 128)
    return pl.pallas_call(
        _comb_block,
        grid=(1,),
        in_specs=[
            pl.BlockSpec((1, ER, 128), lambda i: (0, 0, 0)),
            pl.BlockSpec((1, ER, 128), lambda i: (1, 0, 0)),
            pl.BlockSpec((ER, 128), lambda i: (0, 0)),
        ],
        out_specs=[
            pl.BlockSpec((ER2, 128), lambda i: (0, 0)),
            pl.BlockSpec((ER2, 128), lambda i: (0, 0)),
        ],
        out_shape=[
            jax.ShapeDtypeStruct((ER2, 128), jnp.int32),
            jax.ShapeDtypeStruct((ER2, 128), jnp.int32),
        ],
    )(ei3, ei3, et2)


_MESH = plsc.VectorSubcoreMesh(core_axis_name="c", subcore_axis_name="s",
                               num_cores=NC, num_subcores=NS)


@functools.partial(
    pl.kernel,
    out_type=jax.ShapeDtypeStruct((NC, NPAD, O), jnp.float32),
    mesh=_MESH,
    scratch_types=[
        pltpu.VMEM((GC, CH), jnp.int32),
        pltpu.VMEM((GC, CH), jnp.int32),
        pltpu.VMEM((GC, CH), jnp.int32),
        pltpu.VMEM((GC, CH), jnp.int32),
        pltpu.VMEM((2, CH, O), jnp.float32),
        pltpu.VMEM_SHARED((NPAD, O), jnp.float32),
        pltpu.SemaphoreType.DMA((2,)),
        pltpu.SemaphoreType.DMA((2,)),
    ],
)
def _edge_agg(table_hbm, comb_hbm, dst_hbm, zeros_hbm, out_hbm,
              comb_g0, comb_g1, dst_g0, dst_g1, rows, acc_sh, gsem, stsem):
    cid = lax.axis_index("c")
    sid = lax.axis_index("s")
    wid = sid * NC + cid
    r0 = sid * RPT
    combs = (comb_g0, comb_g1)
    dsts = (dst_g0, dst_g1)

    def stage_descs(grp, st):
        sl = pl.ds(grp * GC, GC)
        return (pltpu.make_async_copy(comb_hbm.at[wid, sl], combs[st],
                                      stsem.at[st]),
                pltpu.make_async_copy(dst_hbm.at[wid, sl], dsts[st],
                                      stsem.at[st]))

    def gat(st, pos, slot):
        return pltpu.make_async_copy(
            table_hbm.at[combs[st].at[pos]], rows.at[slot], gsem.at[slot])

    for d in stage_descs(0, 0):
        d.start()
    pltpu.sync_copy(zeros_hbm.at[pl.ds(r0, RPT)], acc_sh.at[pl.ds(r0, RPT)])
    for d in stage_descs(0, 0):
        d.wait()
    for d in stage_descs(1, 1):
        d.start()
    plsc.subcore_barrier()

    gat(0, 0, 0).start()
    gat(0, 1, 1).start()

    @pl.loop(0, NGRP, step=2)
    def _body(grp):
        for half in range(2):
            st = half
            for j in range(GC):
                k = (grp + half) * GC + j
                slot = j % 2
                if half == 0 and j == 0:
                    @pl.when(grp > 0)
                    def _():
                        for d in stage_descs(grp + 1, 1):
                            d.start()
                elif half == 1 and j == 0:
                    @pl.when(grp + 2 < NGRP)
                    def _():
                        for d in stage_descs(grp + 2, 0):
                            d.start()
                gat(st, j, slot).wait()
                pltpu.sync_copy(rows.at[slot], acc_sh.at[dsts[st].at[j]],
                                add=True)
                tj = j + 2
                if tj < GC:
                    gat(st, tj, slot).start()
                elif half == 0:
                    if tj == GC:
                        for d in stage_descs(grp + 1, 1):
                            d.wait()
                    gat(1, tj - GC, slot).start()
                else:
                    @pl.when(k + 2 < KCH)
                    def _():
                        if tj == GC:
                            for d in stage_descs(grp + 2, 0):
                                d.wait()
                        gat(0, tj - GC, slot).start()

    plsc.subcore_barrier()
    pltpu.sync_copy(acc_sh.at[pl.ds(r0, RPT)],
                    out_hbm.at[cid, pl.ds(r0, RPT)])


def _pre_block(x_ref, wself_ref, brel_ref, w1x_ref, b1_ref, w2x_ref, b2_ref,
               selfb_ref, pre1_ref, xw2_ref):
    x = x_ref[...]
    selfb_ref[...] = (
        jnp.dot(x, wself_ref[...], preferred_element_type=jnp.float32)
        + brel_ref[...])
    pre1_ref[...] = (
        jnp.dot(x, w1x_ref[...], preferred_element_type=jnp.float32)
        + b1_ref[...])
    xw2_ref[...] = (
        jnp.dot(x, w2x_ref[...], preferred_element_type=jnp.float32)
        + b2_ref[...])


def _mlp_pre(x, W_self, b_rel, w1x, b1, w2x, b2, bn=2000):
    full = lambda r, c: pl.BlockSpec((r, c), lambda i: (0, 0))
    row = lambda c: pl.BlockSpec((bn, c), lambda i: (i, 0))
    return pl.pallas_call(
        _pre_block,
        grid=(N // bn,),
        in_specs=[row(D), full(D, O), full(1, O), full(D, 2 * H),
                  full(1, 2 * H), full(D, O), full(1, O)],
        out_specs=[row(O), row(2 * H), row(O)],
        out_shape=[
            jax.ShapeDtypeStruct((N, O), jnp.float32),
            jax.ShapeDtypeStruct((N, 2 * H), jnp.float32),
            jax.ShapeDtypeStruct((N, O), jnp.float32),
        ],
    )(x, W_self, b_rel.reshape(1, O), w1x, b1.reshape(1, 2 * H), w2x,
      b2.reshape(1, O))


def _post_block(agg_ref, selfb_ref, pre1_ref, xw2_ref, w1m_ref, w2m_ref,
                o_ref):
    msg = agg_ref[0] + agg_ref[1] + selfb_ref[...]
    mid = jnp.tanh(
        pre1_ref[...]
        + jnp.dot(msg, w1m_ref[...], preferred_element_type=jnp.float32))
    o_ref[...] = (
        xw2_ref[...]
        + jnp.dot(mid, w2m_ref[...], preferred_element_type=jnp.float32))


def _mlp_post(agg, selfb, pre1, xw2, w1m, w2m, bn=2000):
    full = lambda r, c: pl.BlockSpec((r, c), lambda i: (0, 0))
    row = lambda c: pl.BlockSpec((bn, c), lambda i: (i, 0))
    return pl.pallas_call(
        _post_block,
        grid=(N // bn,),
        in_specs=[
            pl.BlockSpec((NC, bn, O), lambda i: (0, i, 0)),
            row(O), row(2 * H), row(O), full(H, 2 * H), full(2 * H, O),
        ],
        out_specs=row(O),
        out_shape=jax.ShapeDtypeStruct((N, O), jnp.float32),
    )(agg, selfb, pre1, xw2, w1m, w2m)


def kernel(x, edge_index, edges_type, W_rel, W_self, b_rel, W1, b1, W2, b2):
    xw_table = _compute_table(x, W_rel)
    comb_p, dst_p = _compute_comb(edge_index, edges_type)

    zeros = jnp.zeros((NPAD, O), jnp.float32)
    comb_w = comb_p.reshape(NW, KCH, CH)
    dst_w = dst_p.reshape(NW, KCH, CH)
    agg = _edge_agg(xw_table, comb_w, dst_w, zeros)

    selfb, pre1, xw2 = _mlp_pre(x, W_self, b_rel, W1[:D], b1, W2[:D], b2)
    return _mlp_post(agg, selfb, pre1, xw2, W1[D:], W2[D:])

# --- scband reference (transcript-rebuilt; emitter-appended) ---
"""Pipeline reference for scband-gcnconv-61022895341671 (READ-ONLY COPY).

The authoritative reference and input builder live on the scoring server;
editing this copy changes nothing except your own understanding.
"""

import jax, jax.numpy as jnp
import numpy as np

N = 10000
E = 320000
D = 128  # in_channels
H = 128  # hidden_channels
O = 128  # out_channels (must equal H for the concat shapes to work)
R = 8    # edges_type_cnt


def setup_inputs(seed: int = 0) -> dict:
    key = jax.random.key(seed)
    ks = jax.random.split(key, 12)
    x = jax.random.normal(ks[0], (N, D), dtype=jnp.float32)
    edge_index = jax.random.randint(ks[1], (2, E), 0, N, dtype=jnp.int32)
    edges_type = jax.random.randint(ks[2], (E,), 0, R, dtype=jnp.int32)
    # RelGraphConv (low_mem) parameters: per-relation weight, self-loop weight, bias
    W_rel = jax.random.normal(ks[3], (R, D, O), dtype=jnp.float32) / np.sqrt(D)
    W_self = jax.random.normal(ks[4], (D, O), dtype=jnp.float32) / np.sqrt(D)
    b_rel = jnp.zeros((O,), dtype=jnp.float32)
    # updating1: Linear(in_channels + hidden_channels -> 2*hidden_channels)
    W1 = jax.random.normal(ks[5], (D + H, 2 * H), dtype=jnp.float32) / np.sqrt(D + H)
    b1 = jnp.zeros((2 * H,), dtype=jnp.float32)
    # updating2: Linear(in_channels + 2*hidden_channels -> out_channels)
    W2 = jax.random.normal(ks[6], (D + 2 * H, O), dtype=jnp.float32) / np.sqrt(D + 2 * H)
    b2 = jnp.zeros((O,), dtype=jnp.float32)
    return {"x": x, "edge_index": edge_index, "edges_type": edges_type,
            "W_rel": W_rel, "W_self": W_self, "b_rel": b_rel,
            "W1": W1, "b1": b1, "W2": W2, "b2": b2}


def reference(x, edge_index, edges_type, W_rel, W_self, b_rel, W1, b1, W2, b2):
    src = edge_index[0]
    dst = edge_index[1]
    # RelGraphConv low_mem: transform node features once per relation, then gather per edge
    xw = jnp.einsum('nd,rdo->nro', x, W_rel)          # [N, R, O]
    msgs = xw[src, edges_type]                          # [E, O] gather by (src, etype)
    agg = jax.ops.segment_sum(msgs, dst, num_segments=N)  # scatter-add to dst
    msg = agg + x @ W_self + b_rel                      # self-loop + bias
    # updating1 + tanh activation
    mid = jnp.tanh(jnp.concatenate([x, msg], axis=1) @ W1 + b1)
    # updating2
    out = jnp.concatenate([x, mid], axis=1) @ W2 + b2
    return out

if __name__ == "__main__":
    import jax
    _d = setup_inputs()
    print(jax.jit(kernel)(*tuple(_d.values())))

</pallas_src>

<mosaic_0001>
#map = affine_map<(d0, d1) -> (0, 0)>
#map1 = affine_map<(d0, d1) -> (0, 0, 0)>
module attributes {stable_mosaic.version = 14 : i64} {
  func.func @_edge_agg(%arg0: i32, %arg1: i32, %arg2: memref<80000x128xf32, #tpu.memory_space<hbm>>, %arg3: memref<32x80x128xi32, #tpu.memory_space<hbm>>, %arg4: memref<32x80x128xi32, #tpu.memory_space<hbm>>, %arg5: memref<10240x128xf32, #tpu.memory_space<hbm>>, %arg6: memref<2x10240x128xf32, #tpu.memory_space<hbm>>, %arg7: memref<8x128xi32, #tpu.memory_space<vmem>>, %arg8: memref<8x128xi32, #tpu.memory_space<vmem>>, %arg9: memref<8x128xi32, #tpu.memory_space<vmem>>, %arg10: memref<8x128xi32, #tpu.memory_space<vmem>>, %arg11: memref<2x128x128xf32, #tpu.memory_space<vmem>>, %arg12: memref<10240x128xf32, #tpu.memory_space<vmem_shared>>, %arg13: memref<2x!tpu.dma_semaphore, #tpu.memory_space<semaphore_mem>>, %arg14: memref<2x!tpu.dma_semaphore, #tpu.memory_space<semaphore_mem>>) attributes {dimension_semantics = [#tpu.dimension_semantics<core_parallel>, #tpu.dimension_semantics<subcore_parallel>], iteration_bounds = array<i64: 2, 16>, scalar_prefetch = 0 : i64, scratch_operands = 8 : i64, tpu.core_type = #tpu.core_type<sc_vector_subcore>, window_params = [{transform_indices = #map}, {transform_indices = #map1}, {transform_indices = #map1}, {transform_indices = #map}, {transform_indices = #map1}]} {
    %mul3A = arith.constant 2 : i32
    %mul3A_0 = arith.muli %arg1, %mul3A : i32
    %add3A = arith.addi %mul3A_0, %arg0 : i32
    %mul3A_1 = arith.constant 640 : i32
    %mul3A_2 = arith.muli %arg1, %mul3A_1 : i32
    %dma_start3A = arith.constant 0 : i32
    %dma_start3A_3 = arith.constant 0 : i32
    %dma_start3A_4 = arith.constant 0 : i32
    %dma_start3A_5 = tpu.memref_slice %arg3[%add3A, %dma_start3A_3, %dma_start3A_4] : memref<32x80x128xi32, #tpu.memory_space<hbm>> -> memref<1x8x128xi32, #tpu.memory_space<hbm>>
    %dma_start3A_6 = tpu.memref_squeeze %dma_start3A_5 : memref<1x8x128xi32, #tpu.memory_space<hbm>> -> memref<8x128xi32, #tpu.memory_space<hbm>>
    %dma_start3A_7 = tpu.memref_slice %arg14[%dma_start3A] : memref<2x!tpu.dma_semaphore, #tpu.memory_space<semaphore_mem>> -> memref<1x!tpu.dma_semaphore, #tpu.memory_space<semaphore_mem>>
    %dma_start3A_8 = tpu.memref_squeeze %dma_start3A_7 : memref<1x!tpu.dma_semaphore, #tpu.memory_space<semaphore_mem>> -> memref<!tpu.dma_semaphore, #tpu.memory_space<semaphore_mem>>
    %dma_start3A_9 = arith.constant 0 : i32
    %dma_start3A_10 = arith.constant 0 : i32
    %dma_start3A_11 = tpu.memref_slice %arg3[%add3A, %dma_start3A_9, %dma_start3A_10] : memref<32x80x128xi32, #tpu.memory_space<hbm>> -> memref<1x8x128xi32, #tpu.memory_space<hbm>>
    %dma_start3A_12 = tpu.memref_squeeze %dma_start3A_11 : memref<1x8x128xi32, #tpu.memory_space<hbm>> -> memref<8x128xi32, #tpu.memory_space<hbm>>
    tpu.enqueue_dma source(%dma_start3A_12 : memref<8x128xi32, #tpu.memory_space<hbm>>) target(%arg7 : memref<8x128xi32, #tpu.memory_space<vmem>>) target_semaphore(%dma_start3A_8 : memref<!tpu.dma_semaphore, #tpu.memory_space<semaphore_mem>>)
    %dma_start3A_13 = arith.constant 0 : i32
    %dma_start3A_14 = arith.constant 0 : i32
    %dma_start3A_15 = arith.constant 0 : i32
    %dma_start3A_16 = tpu.memref_slice %arg4[%add3A, %dma_start3A_14, %dma_start3A_15] : memref<32x80x128xi32, #tpu.memory_space<hbm>> -> memref<1x8x128xi32, #tpu.memory_space<hbm>>
    %dma_start3A_17 = tpu.memref_squeeze %dma_start3A_16 : memref<1x8x128xi32, #tpu.memory_space<hbm>> -> memref<8x128xi32, #tpu.memory_space<hbm>>
    %dma_start3A_18 = tpu.memref_slice %arg14[%dma_start3A_13] : memref<2x!tpu.dma_semaphore, #tpu.memory_space<semaphore_mem>> -> memref<1x!tpu.dma_semaphore, #tpu.memory_space<semaphore_mem>>
    %dma_start3A_19 = tpu.memref_squeeze %dma_start3A_18 : memref<1x!tpu.dma_semaphore, #tpu.memory_space<semaphore_mem>> -> memref<!tpu.dma_semaphore, #tpu.memory_space<semaphore_mem>>
    %dma_start3A_20 = arith.constant 0 : i32
    %dma_start3A_21 = arith.constant 0 : i32
    %dma_start3A_22 = tpu.memref_slice %arg4[%add3A, %dma_start3A_20, %dma_start3A_21] : memref<32x80x128xi32, #tpu.memory_space<hbm>> -> memref<1x8x128xi32, #tpu.memory_space<hbm>>
    %dma_start3A_23 = tpu.memref_squeeze %dma_start3A_22 : memref<1x8x128xi32, #tpu.memory_space<hbm>> -> memref<8x128xi32, #tpu.memory_space<hbm>>
    tpu.enqueue_dma source(%dma_start3A_23 : memref<8x128xi32, #tpu.memory_space<hbm>>) target(%arg9 : memref<8x128xi32, #tpu.memory_space<vmem>>) target_semaphore(%dma_start3A_19 : memref<!tpu.dma_semaphore, #tpu.memory_space<semaphore_mem>>)
    "tpu.region"() ({
      %run_scoped3A = tpu.sem_alloc : memref<!tpu.dma_semaphore, #tpu.memory_space<semaphore_mem>>
      %dma_start3A_102 = arith.constant 0 : i32
      %dma_start3A_103 = tpu.memref_slice %arg12[%mul3A_2, %dma_start3A_102] : memref<10240x128xf32, #tpu.memory_space<vmem_shared>> -> memref<640x128xf32, #tpu.memory_space<vmem_shared>>
      %dma_start3A_104 = arith.constant 0 : i32
      %dma_start3A_105 = tpu.memref_slice %arg5[%mul3A_2, %dma_start3A_104] : memref<10240x128xf32, #tpu.memory_space<hbm>> -> memref<640x128xf32, #tpu.memory_space<hbm>>
      tpu.enqueue_dma source(%dma_start3A_105 : memref<640x128xf32, #tpu.memory_space<hbm>>) target(%dma_start3A_103 : memref<640x128xf32, #tpu.memory_space<vmem_shared>>) target_semaphore(%run_scoped3A : memref<!tpu.dma_semaphore, #tpu.memory_space<semaphore_mem>>)
      %dma_wait3A_106 = arith.constant 0 : i32
      %dma_wait3A_107 = tpu.memref_slice %arg12[%mul3A_2, %dma_wait3A_106] : memref<10240x128xf32, #tpu.memory_space<vmem_shared>> -> memref<640x128xf32, #tpu.memory_space<vmem_shared>>
      %dma_wait3A_108 = arith.constant 0 : i32
      %dma_wait3A_109 = tpu.memref_slice %arg5[%mul3A_2, %dma_wait3A_108] : memref<10240x128xf32, #tpu.memory_space<hbm>> -> memref<640x128xf32, #tpu.memory_space<hbm>>
      tpu.wait_dma2 semaphore(%run_scoped3A : memref<!tpu.dma_semaphore, #tpu.memory_space<semaphore_mem>>) src(%dma_wait3A_109 : memref<640x128xf32, #tpu.memory_space<hbm>>) dst(%dma_wait3A_107 : memref<640x128xf32, #tpu.memory_space<vmem_shared>>)
      tpu.yield
    }) : () -> ()
    %dma_wait3A = arith.constant 0 : i32
    %dma_wait3A_24 = arith.constant 0 : i32
    %dma_wait3A_25 = arith.constant 0 : i32
    %dma_wait3A_26 = tpu.memref_slice %arg3[%add3A, %dma_wait3A_24, %dma_wait3A_25] : memref<32x80x128xi32, #tpu.memory_space<hbm>> -> memref<1x8x128xi32, #tpu.memory_space<hbm>>
    %dma_wait3A_27 = tpu.memref_squeeze %dma_wait3A_26 : memref<1x8x128xi32, #tpu.memory_space<hbm>> -> memref<8x128xi32, #tpu.memory_space<hbm>>
    %dma_wait3A_28 = tpu.memref_slice %arg14[%dma_wait3A] : memref<2x!tpu.dma_semaphore, #tpu.memory_space<semaphore_mem>> -> memref<1x!tpu.dma_semaphore, #tpu.memory_space<semaphore_mem>>
    %dma_wait3A_29 = tpu.memref_squeeze %dma_wait3A_28 : memref<1x!tpu.dma_semaphore, #tpu.memory_space<semaphore_mem>> -> memref<!tpu.dma_semaphore, #tpu.memory_space<semaphore_mem>>
    %dma_wait3A_30 = arith.constant 0 : i32
    %dma_wait3A_31 = arith.constant 0 : i32
    %dma_wait3A_32 = tpu.memref_slice %arg3[%add3A, %dma_wait3A_30, %dma_wait3A_31] : memref<32x80x128xi32, #tpu.memory_space<hbm>> -> memref<1x8x128xi32, #tpu.memory_space<hbm>>
    %dma_wait3A_33 = tpu.memref_squeeze %dma_wait3A_32 : memref<1x8x128xi32, #tpu.memory_space<hbm>> -> memref<8x128xi32, #tpu.memory_space<hbm>>
    tpu.wait_dma2 semaphore(%dma_wait3A_29 : memref<!tpu.dma_semaphore, #tpu.memory_space<semaphore_mem>>) src(%dma_wait3A_33 : memref<8x128xi32, #tpu.memory_space<hbm>>) dst(%arg7 : memref<8x128xi32, #tpu.memory_space<vmem>>)
    %dma_wait3A_34 = arith.constant 0 : i32
    %dma_wait3A_35 = arith.constant 0 : i32
    %dma_wait3A_36 = arith.constant 0 : i32
    %dma_wait3A_37 = tpu.memref_slice %arg4[%add3A, %dma_wait3A_35, %dma_wait3A_36] : memref<32x80x128xi32, #tpu.memory_space<hbm>> -> memref<1x8x128xi32, #tpu.memory_space<hbm>>
    %dma_wait3A_38 = tpu.memref_squeeze %dma_wait3A_37 : memref<1x8x128xi32, #tpu.memory_space<hbm>> -> memref<8x128xi32, #tpu.memory_space<hbm>>
    %dma_wait3A_39 = tpu.memref_slice %arg14[%dma_wait3A_34] : memref<2x!tpu.dma_semaphore, #tpu.memory_space<semaphore_mem>> -> memref<1x!tpu.dma_semaphore, #tpu.memory_space<semaphore_mem>>
    %dma_wait3A_40 = tpu.memref_squeeze %dma_wait3A_39 : memref<1x!tpu.dma_semaphore, #tpu.memory_space<semaphore_mem>> -> memref<!tpu.dma_semaphore, #tpu.memory_space<semaphore_mem>>
    %dma_wait3A_41 = arith.constant 0 : i32
    %dma_wait3A_42 = arith.constant 0 : i32
    %dma_wait3A_43 = tpu.memref_slice %arg4[%add3A, %dma_wait3A_41, %dma_wait3A_42] : memref<32x80x128xi32, #tpu.memory_space<hbm>> -> memref<1x8x128xi32, #tpu.memory_space<hbm>>
    %dma_wait3A_44 = tpu.memref_squeeze %dma_wait3A_43 : memref<1x8x128xi32, #tpu.memory_space<hbm>> -> memref<8x128xi32, #tpu.memory_space<hbm>>
    tpu.wait_dma2 semaphore(%dma_wait3A_40 : memref<!tpu.dma_semaphore, #tpu.memory_space<semaphore_mem>>) src(%dma_wait3A_44 : memref<8x128xi32, #tpu.memory_space<hbm>>) dst(%arg9 : memref<8x128xi32, #tpu.memory_space<vmem>>)
    %dma_start3A_45 = arith.constant 1 : i32
    %dma_start3A_46 = arith.constant 8 : i32
    %dma_start3A_47 = arith.constant 0 : i32
    %dma_start3A_48 = tpu.memref_slice %arg3[%add3A, %dma_start3A_46, %dma_start3A_47] : memref<32x80x128xi32, #tpu.memory_space<hbm>> -> memref<1x8x128xi32, #tpu.memory_space<hbm>>
    %dma_start3A_49 = tpu.memref_squeeze %dma_start3A_48 : memref<1x8x128xi32, #tpu.memory_space<hbm>> -> memref<8x128xi32, #tpu.memory_space<hbm>>
    %dma_start3A_50 = tpu.memref_slice %arg14[%dma_start3A_45] : memref<2x!tpu.dma_semaphore, #tpu.memory_space<semaphore_mem>> -> memref<1x!tpu.dma_semaphore, #tpu.memory_space<semaphore_mem>>
    %dma_start3A_51 = tpu.memref_squeeze %dma_start3A_50 : memref<1x!tpu.dma_semaphore, #tpu.memory_space<semaphore_mem>> -> memref<!tpu.dma_semaphore, #tpu.memory_space<semaphore_mem>>
    %dma_start3A_52 = arith.constant 8 : i32
    %dma_start3A_53 = arith.constant 0 : i32
    %dma_start3A_54 = tpu.memref_slice %arg3[%add3A, %dma_start3A_52, %dma_start3A_53] : memref<32x80x128xi32, #tpu.memory_space<hbm>> -> memref<1x8x128xi32, #tpu.memory_space<hbm>>
    %dma_start3A_55 = tpu.memref_squeeze %dma_start3A_54 : memref<1x8x128xi32, #tpu.memory_space<hbm>> -> memref<8x128xi32, #tpu.memory_space<hbm>>
    tpu.enqueue_dma source(%dma_start3A_55 : memref<8x128xi32, #tpu.memory_space<hbm>>) target(%arg8 : memref<8x128xi32, #tpu.memory_space<vmem>>) target_semaphore(%dma_start3A_51 : memref<!tpu.dma_semaphore, #tpu.memory_space<semaphore_mem>>)
    %dma_start3A_56 = arith.constant 1 : i32
    %dma_start3A_57 = arith.constant 8 : i32
    %dma_start3A_58 = arith.constant 0 : i32
    %dma_start3A_59 = tpu.memref_slice %arg4[%add3A, %dma_start3A_57, %dma_start3A_58] : memref<32x80x128xi32, #tpu.memory_space<hbm>> -> memref<1x8x128xi32, #tpu.memory_space<hbm>>
    %dma_start3A_60 = tpu.memref_squeeze %dma_start3A_59 : memref<1x8x128xi32, #tpu.memory_space<hbm>> -> memref<8x128xi32, #tpu.memory_space<hbm>>
    %dma_start3A_61 = tpu.memref_slice %arg14[%dma_start3A_56] : memref<2x!tpu.dma_semaphore, #tpu.memory_space<semaphore_mem>> -> memref<1x!tpu.dma_semaphore, #tpu.memory_space<semaphore_mem>>
    %dma_start3A_62 = tpu.memref_squeeze %dma_start3A_61 : memref<1x!tpu.dma_semaphore, #tpu.memory_space<semaphore_mem>> -> memref<!tpu.dma_semaphore, #tpu.memory_space<semaphore_mem>>
    %dma_start3A_63 = arith.constant 8 : i32
    %dma_start3A_64 = arith.constant 0 : i32
    %dma_start3A_65 = tpu.memref_slice %arg4[%add3A, %dma_start3A_63, %dma_start3A_64] : memref<32x80x128xi32, #tpu.memory_space<hbm>> -> memref<1x8x128xi32, #tpu.memory_space<hbm>>
    %dma_start3A_66 = tpu.memref_squeeze %dma_start3A_65 : memref<1x8x128xi32, #tpu.memory_space<hbm>> -> memref<8x128xi32, #tpu.memory_space<hbm>>
    tpu.enqueue_dma source(%dma_start3A_66 : memref<8x128xi32, #tpu.memory_space<hbm>>) target(%arg10 : memref<8x128xi32, #tpu.memory_space<vmem>>) target_semaphore(%dma_start3A_62 : memref<!tpu.dma_semaphore, #tpu.memory_space<semaphore_mem>>)
    %barrier3A = arith.constant 0 : index
    tpu.barrier barrier_id(%barrier3A)
    %dma_start3A_67 = arith.constant 0 : i32
    %dma_start3A_68 = arith.constant 0 : i32
    %dma_start3A_69 = arith.constant 0 : i32
    %dma_start3A_70 = arith.constant 0 : i32
    %dma_start3A_71 = arith.constant 0 : i32
    %dma_start3A_72 = tpu.memref_slice %arg11[%dma_start3A_68, %dma_start3A_70, %dma_start3A_71] : memref<2x128x128xf32, #tpu.memory_space<vmem>> -> memref<1x128x128xf32, #tpu.memory_space<vmem>>
    %dma_start3A_73 = tpu.memref_squeeze %dma_start3A_72 : memref<1x128x128xf32, #tpu.memory_space<vmem>> -> memref<128x128xf32, #tpu.memory_space<vmem>>
    %dma_start3A_74 = arith.constant 0 : i32
    %dma_start3A_75 = tpu.memref_slice %arg7[%dma_start3A_67, %dma_start3A_74] : memref<8x128xi32, #tpu.memory_space<vmem>> -> memref<1x128xi32, #tpu.memory_space<vmem>>
    %dma_start3A_76 = tpu.memref_squeeze %dma_start3A_75 : memref<1x128xi32, #tpu.memory_space<vmem>> -> memref<128xi32, #tpu.memory_space<vmem>>
    %dma_start3A_77 = arith.constant 0 : i32
    %dma_start3A_78 = arith.constant 0 : i32
    %dma_start3A_79 = tpu.memref_slice %arg2[%dma_start3A_77, %dma_start3A_78] : memref<80000x128xf32, #tpu.memory_space<hbm>> -> memref<80000x128xf32, #tpu.memory_space<hbm>>
    %dma_start3A_80 = tpu.memref_slice %arg13[%dma_start3A_69] : memref<2x!tpu.dma_semaphore, #tpu.memory_space<semaphore_mem>> -> memref<1x!tpu.dma_semaphore, #tpu.memory_space<semaphore_mem>>
    %dma_start3A_81 = tpu.memref_squeeze %dma_start3A_80 : memref<1x!tpu.dma_semaphore, #tpu.memory_space<semaphore_mem>> -> memref<!tpu.dma_semaphore, #tpu.memory_space<semaphore_mem>>
    tpu.enqueue_indirect_dma source(%dma_start3A_79 : memref<80000x128xf32, #tpu.memory_space<hbm>>) target(%dma_start3A_73 : memref<128x128xf32, #tpu.memory_space<vmem>>) offsets(%dma_start3A_76 : memref<128xi32, #tpu.memory_space<vmem>>) semaphore(%dma_start3A_81 : memref<!tpu.dma_semaphore, #tpu.memory_space<semaphore_mem>>)
    %dma_start3A_82 = arith.constant 1 : i32
    %dma_start3A_83 = arith.constant 1 : i32
    %dma_start3A_84 = arith.constant 1 : i32
    %dma_start3A_85 = arith.constant 0 : i32
    %dma_start3A_86 = arith.constant 0 : i32
    %dma_start3A_87 = tpu.memref_slice %arg11[%dma_start3A_83, %dma_start3A_85, %dma_start3A_86] : memref<2x128x128xf32, #tpu.memory_space<vmem>> -> memref<1x128x128xf32, #tpu.memory_space<vmem>>
    %dma_start3A_88 = tpu.memref_squeeze %dma_start3A_87 : memref<1x128x128xf32, #tpu.memory_space<vmem>> -> memref<128x128xf32, #tpu.memory_space<vmem>>
    %dma_start3A_89 = arith.constant 0 : i32
    %dma_start3A_90 = tpu.memref_slice %arg7[%dma_start3A_82, %dma_start3A_89] : memref<8x128xi32, #tpu.memory_space<vmem>> -> memref<1x128xi32, #tpu.memory_space<vmem>>
    %dma_start3A_91 = tpu.memref_squeeze %dma_start3A_90 : memref<1x128xi32, #tpu.memory_space<vmem>> -> memref<128xi32, #tpu.memory_space<vmem>>
    %dma_start3A_92 = arith.constant 0 : i32
    %dma_start3A_93 = arith.constant 0 : i32
    %dma_start3A_94 = tpu.memref_slice %arg2[%dma_start3A_92, %dma_start3A_93] : memref<80000x128xf32, #tpu.memory_space<hbm>> -> memref<80000x128xf32, #tpu.memory_space<hbm>>
    %dma_start3A_95 = tpu.memref_slice %arg13[%dma_start3A_84] : memref<2x!tpu.dma_semaphore, #tpu.memory_space<semaphore_mem>> -> memref<1x!tpu.dma_semaphore, #tpu.memory_space<semaphore_mem>>
    %dma_start3A_96 = tpu.memref_squeeze %dma_start3A_95 : memref<1x!tpu.dma_semaphore, #tpu.memory_space<semaphore_mem>> -> memref<!tpu.dma_semaphore, #tpu.memory_space<semaphore_mem>>
    tpu.enqueue_indirect_dma source(%dma_start3A_94 : memref<80000x128xf32, #tpu.memory_space<hbm>>) target(%dma_start3A_88 : memref<128x128xf32, #tpu.memory_space<vmem>>) offsets(%dma_start3A_91 : memref<128xi32, #tpu.memory_space<vmem>>) semaphore(%dma_start3A_96 : memref<!tpu.dma_semaphore, #tpu.memory_space<semaphore_mem>>)
    %scan3A = arith.constant 0 : i32
    %scan3A_97 = arith.constant 5 : i32
    %scan3A_98 = arith.addi %scan3A, %scan3A_97 : i32
    %scan3A_99 = arith.constant 1 : i32
    scf.for %scan3A_102 = %scan3A to %scan3A_98 step %scan3A_99  : i32 {
      %mul3A_103 = arith.constant 2 : i32
      %mul3A_104 = arith.muli %scan3A_102, %mul3A_103 : i32
      %add3A_105 = arith.constant 0 : i32
      %add3A_106 = arith.addi %add3A_105, %mul3A_104 : i32
      %add3A_107 = arith.constant 0 : i32
      %add3A_108 = arith.addi %add3A_106, %add3A_107 : i32
      %mul3A_109 = arith.constant 8 : i32
      %mul3A_110 = arith.muli %add3A_108, %mul3A_109 : i32
      %add3A_111 = arith.constant 0 : i32
      %add3A_112 = arith.addi %mul3A_110, %add3A_111 : i32
      %gt3A = arith.constant 0 : i32
      %gt3A_113 = arith.cmpi sgt, %add3A_106, %gt3A : i32
      %convert_element_type3A = arith.extui %gt3A_113 : i1 to i32
      %cond3A = arith.constant 0 : i32
      %cond3A_114 = arith.cmpi ne, %convert_element_type3A, %cond3A : i32
      scf.if %cond3A_114 {
        %add3A_728 = arith.constant 1 : i32
        %add3A_729 = arith.addi %add3A_106, %add3A_728 : i32
        %mul3A_730 = arith.constant 8 : i32
        %mul3A_731 = arith.muli %add3A_729, %mul3A_730 : i32
        %dma_start3A_732 = arith.constant 1 : i32
        %dma_start3A_733 = arith.constant 0 : i32
        %dma_start3A_734 = tpu.memref_slice %arg3[%add3A, %mul3A_731, %dma_start3A_733] : memref<32x80x128xi32, #tpu.memory_space<hbm>> -> memref<1x8x128xi32, #tpu.memory_space<hbm>>
        %dma_start3A_735 = tpu.memref_squeeze %dma_start3A_734 : memref<1x8x128xi32, #tpu.memory_space<hbm>> -> memref<8x128xi32, #tpu.memory_space<hbm>>
        %dma_start3A_736 = tpu.memref_slice %arg14[%dma_start3A_732] : memref<2x!tpu.dma_semaphore, #tpu.memory_space<semaphore_mem>> -> memref<1x!tpu.dma_semaphore, #tpu.memory_space<semaphore_mem>>
        %dma_start3A_737 = tpu.memref_squeeze %dma_start3A_736 : memref<1x!tpu.dma_semaphore, #tpu.memory_space<semaphore_mem>> -> memref<!tpu.dma_semaphore, #tpu.memory_space<semaphore_mem>>
        %dma_start3A_738 = arith.constant 0 : i32
        %dma_start3A_739 = tpu.memref_slice %arg3[%add3A, %mul3A_731, %dma_start3A_738] : memref<32x80x128xi32, #tpu.memory_space<hbm>> -> memref<1x8x128xi32, #tpu.memory_space<hbm>>
        %dma_start3A_740 = tpu.memref_squeeze %dma_start3A_739 : memref<1x8x128xi32, #tpu.memory_space<hbm>> -> memref<8x128xi32, #tpu.memory_space<hbm>>
        tpu.enqueue_dma source(%dma_start3A_740 : memref<8x128xi32, #tpu.memory_space<hbm>>) target(%arg8 : memref<8x128xi32, #tpu.memory_space<vmem>>) target_semaphore(%dma_start3A_737 : memref<!tpu.dma_semaphore, #tpu.memory_space<semaphore_mem>>)
        %dma_start3A_741 = arith.constant 1 : i32
        %dma_start3A_742 = arith.constant 0 : i32
        %dma_start3A_743 = tpu.memref_slice %arg4[%add3A, %mul3A_731, %dma_start3A_742] : memref<32x80x128xi32, #tpu.memory_space<hbm>> -> memref<1x8x128xi32, #tpu.memory_space<hbm>>
        %dma_start3A_744 = tpu.memref_squeeze %dma_start3A_743 : memref<1x8x128xi32, #tpu.memory_space<hbm>> -> memref<8x128xi32, #tpu.memory_space<hbm>>
        %dma_start3A_745 = tpu.memref_slice %arg14[%dma_start3A_741] : memref<2x!tpu.dma_semaphore, #tpu.memory_space<semaphore_mem>> -> memref<1x!tpu.dma_semaphore, #tpu.memory_space<semaphore_mem>>
        %dma_start3A_746 = tpu.memref_squeeze %dma_start3A_745 : memref<1x!tpu.dma_semaphore, #tpu.memory_space<semaphore_mem>> -> memref<!tpu.dma_semaphore, #tpu.memory_space<semaphore_mem>>
        %dma_start3A_747 = arith.constant 0 : i32
        %dma_start3A_748 = tpu.memref_slice %arg4[%add3A, %mul3A_731, %dma_start3A_747] : memref<32x80x128xi32, #tpu.memory_space<hbm>> -> memref<1x8x128xi32, #tpu.memory_space<hbm>>
        %dma_start3A_749 = tpu.memref_squeeze %dma_start3A_748 : memref<1x8x128xi32, #tpu.memory_space<hbm>> -> memref<8x128xi32, #tpu.memory_space<hbm>>
        tpu.enqueue_dma source(%dma_start3A_749 : memref<8x128xi32, #tpu.memory_space<hbm>>) target(%arg10 : memref<8x128xi32, #tpu.memory_space<vmem>>) target_semaphore(%dma_start3A_746 : memref<!tpu.dma_semaphore, #tpu.memory_space<semaphore_mem>>)
      } else {
      }
      %dma_wait3A_115 = arith.constant 0 : i32
      %dma_wait3A_116 = arith.constant 0 : i32
      %dma_wait3A_117 = arith.constant 0 : i32
      %dma_wait3A_118 = arith.constant 0 : i32
      %dma_wait3A_119 = arith.constant 0 : i32
      %dma_wait3A_120 = tpu.memref_slice %arg11[%dma_wait3A_116, %dma_wait3A_118, %dma_wait3A_119] : memref<2x128x128xf32, #tpu.memory_space<vmem>> -> memref<1x128x128xf32, #tpu.memory_space<vmem>>
      %dma_wait3A_121 = tpu.memref_squeeze %dma_wait3A_120 : memref<1x128x128xf32, #tpu.memory_space<vmem>> -> memref<128x128xf32, #tpu.memory_space<vmem>>
      %dma_wait3A_122 = arith.constant 0 : i32
      %dma_wait3A_123 = tpu.memref_slice %arg7[%dma_wait3A_115, %dma_wait3A_122] : memref<8x128xi32, #tpu.memory_space<vmem>> -> memref<1x128xi32, #tpu.memory_space<vmem>>
      %dma_wait3A_124 = tpu.memref_squeeze %dma_wait3A_123 : memref<1x128xi32, #tpu.memory_space<vmem>> -> memref<128xi32, #tpu.memory_space<vmem>>
      %dma_wait3A_125 = arith.constant 0 : i32
      %dma_wait3A_126 = arith.constant 0 : i32
      %dma_wait3A_127 = tpu.memref_slice %arg2[%dma_wait3A_125, %dma_wait3A_126] : memref<80000x128xf32, #tpu.memory_space<hbm>> -> memref<80000x128xf32, #tpu.memory_space<hbm>>
      %dma_wait3A_128 = tpu.memref_slice %arg13[%dma_wait3A_117] : memref<2x!tpu.dma_semaphore, #tpu.memory_space<semaphore_mem>> -> memref<1x!tpu.dma_semaphore, #tpu.memory_space<semaphore_mem>>
      %dma_wait3A_129 = tpu.memref_squeeze %dma_wait3A_128 : memref<1x!tpu.dma_semaphore, #tpu.memory_space<semaphore_mem>> -> memref<!tpu.dma_semaphore, #tpu.memory_space<semaphore_mem>>
      tpu.wait_indirect_dma semaphore(%dma_wait3A_129 : memref<!tpu.dma_semaphore, #tpu.memory_space<semaphore_mem>>) src(%dma_wait3A_127 : memref<80000x128xf32, #tpu.memory_space<hbm>>) dst(%dma_wait3A_121 : memref<128x128xf32, #tpu.memory_space<vmem>>)
      %run_scoped3A = arith.constant 0 : i32
      %run_scoped3A_130 = arith.constant 0 : i32
      "tpu.region"() ({
        %run_scoped3A_728 = tpu.sem_alloc : memref<!tpu.dma_semaphore, #tpu.memory_space<semaphore_mem>>
        %dma_start3A_729 = arith.constant 0 : i32
        %dma_start3A_730 = arith.constant 0 : i32
        %dma_start3A_731 = tpu.memref_slice %arg11[%run_scoped3A, %dma_start3A_729, %dma_start3A_730] : memref<2x128x128xf32, #tpu.memory_space<vmem>> -> memref<1x128x128xf32, #tpu.memory_space<vmem>>
        %dma_start3A_732 = tpu.memref_squeeze %dma_start3A_731 : memref<1x128x128xf32, #tpu.memory_space<vmem>> -> memref<128x128xf32, #tpu.memory_space<vmem>>
        %dma_start3A_733 = arith.constant 0 : i32
        %dma_start3A_734 = tpu.memref_slice %arg9[%run_scoped3A_130, %dma_start3A_733] : memref<8x128xi32, #tpu.memory_space<vmem>> -> memref<1x128xi32, #tpu.memory_space<vmem>>
        %dma_start3A_735 = tpu.memref_squeeze %dma_start3A_734 : memref<1x128xi32, #tpu.memory_space<vmem>> -> memref<128xi32, #tpu.memory_space<vmem>>
        %dma_start3A_736 = arith.constant 0 : i32
        %dma_start3A_737 = arith.constant 0 : i32
        %dma_start3A_738 = tpu.memref_slice %arg12[%dma_start3A_736, %dma_start3A_737] : memref<10240x128xf32, #tpu.memory_space<vmem_shared>> -> memref<10240x128xf32, #tpu.memory_space<vmem_shared>>
        tpu.enqueue_indirect_dma source(%dma_start3A_732 : memref<128x128xf32, #tpu.memory_space<vmem>>) target(%dma_start3A_738 : memref<10240x128xf32, #tpu.memory_space<vmem_shared>>) offsets(%dma_start3A_735 : memref<128xi32, #tpu.memory_space<vmem>>) semaphore(%run_scoped3A_728 : memref<!tpu.dma_semaphore, #tpu.memory_space<semaphore_mem>>) {add = true}
        %dma_wait3A_739 = arith.constant 0 : i32
        %dma_wait3A_740 = arith.constant 0 : i32
        %dma_wait3A_741 = tpu.memref_slice %arg11[%run_scoped3A, %dma_wait3A_739, %dma_wait3A_740] : memref<2x128x128xf32, #tpu.memory_space<vmem>> -> memref<1x128x128xf32, #tpu.memory_space<vmem>>
        %dma_wait3A_742 = tpu.memref_squeeze %dma_wait3A_741 : memref<1x128x128xf32, #tpu.memory_space<vmem>> -> memref<128x128xf32, #tpu.memory_space<vmem>>
        %dma_wait3A_743 = arith.constant 0 : i32
        %dma_wait3A_744 = tpu.memref_slice %arg9[%run_scoped3A_130, %dma_wait3A_743] : memref<8x128xi32, #tpu.memory_space<vmem>> -> memref<1x128xi32, #tpu.memory_space<vmem>>
        %dma_wait3A_745 = tpu.memref_squeeze %dma_wait3A_744 : memref<1x128xi32, #tpu.memory_space<vmem>> -> memref<128xi32, #tpu.memory_space<vmem>>
        %dma_wait3A_746 = arith.constant 0 : i32
        %dma_wait3A_747 = arith.constant 0 : i32
        %dma_wait3A_748 = tpu.memref_slice %arg12[%dma_wait3A_746, %dma_wait3A_747] : memref<10240x128xf32, #tpu.memory_space<vmem_shared>> -> memref<10240x128xf32, #tpu.memory_space<vmem_shared>>
        tpu.wait_indirect_dma semaphore(%run_scoped3A_728 : memref<!tpu.dma_semaphore, #tpu.memory_space<semaphore_mem>>) src(%dma_wait3A_742 : memref<128x128xf32, #tpu.memory_space<vmem>>) dst(%dma_wait3A_748 : memref<10240x128xf32, #tpu.memory_space<vmem_shared>>)
        tpu.yield
      }) : () -> ()
      %dma_start3A_131 = arith.constant 2 : i32
      %dma_start3A_132 = arith.constant 0 : i32
      %dma_start3A_133 = arith.constant 0 : i32
      %dma_start3A_134 = arith.constant 0 : i32
      %dma_start3A_135 = arith.constant 0 : i32
      %dma_start3A_136 = tpu.memref_slice %arg11[%dma_start3A_132, %dma_start3A_134, %dma_start3A_135] : memref<2x128x128xf32, #tpu.memory_space<vmem>> -> memref<1x128x128xf32, #tpu.memory_space<vmem>>
      %dma_start3A_137 = tpu.memref_squeeze %dma_start3A_136 : memref<1x128x128xf32, #tpu.memory_space<vmem>> -> memref<128x128xf32, #tpu.memory_space<vmem>>
      %dma_start3A_138 = arith.constant 0 : i32
      %dma_start3A_139 = tpu.memref_slice %arg7[%dma_start3A_131, %dma_start3A_138] : memref<8x128xi32, #tpu.memory_space<vmem>> -> memref<1x128xi32, #tpu.memory_space<vmem>>
      %dma_start3A_140 = tpu.memref_squeeze %dma_start3A_139 : memref<1x128xi32, #tpu.memory_space<vmem>> -> memref<128xi32, #tpu.memory_space<vmem>>
      %dma_start3A_141 = arith.constant 0 : i32
      %dma_start3A_142 = arith.constant 0 : i32
      %dma_start3A_143 = tpu.memref_slice %arg2[%dma_start3A_141, %dma_start3A_142] : memref<80000x128xf32, #tpu.memory_space<hbm>> -> memref<80000x128xf32, #tpu.memory_space<hbm>>
      %dma_start3A_144 = tpu.memref_slice %arg13[%dma_start3A_133] : memref<2x!tpu.dma_semaphore, #tpu.memory_space<semaphore_mem>> -> memref<1x!tpu.dma_semaphore, #tpu.memory_space<semaphore_mem>>
      %dma_start3A_145 = tpu.memref_squeeze %dma_start3A_144 : memref<1x!tpu.dma_semaphore, #tpu.memory_space<semaphore_mem>> -> memref<!tpu.dma_semaphore, #tpu.memory_space<semaphore_mem>>
      tpu.enqueue_indirect_dma source(%dma_start3A_143 : memref<80000x128xf32, #tpu.memory_space<hbm>>) target(%dma_start3A_137 : memref<128x128xf32, #tpu.memory_space<vmem>>) offsets(%dma_start3A_140 : memref<128xi32, #tpu.memory_space<vmem>>) semaphore(%dma_start3A_145 : memref<!tpu.dma_semaphore, #tpu.memory_space<semaphore_mem>>)
      %add3A_146 = arith.constant 0 : i32
      %add3A_147 = arith.addi %add3A_106, %add3A_146 : i32
      %mul3A_148 = arith.constant 8 : i32
      %mul3A_149 = arith.muli %add3A_147, %mul3A_148 : i32
      %add3A_150 = arith.constant 1 : i32
      %add3A_151 = arith.addi %mul3A_149, %add3A_150 : i32
      %dma_wait3A_152 = arith.constant 1 : i32
      %dma_wait3A_153 = arith.constant 1 : i32
      %dma_wait3A_154 = arith.constant 1 : i32
      %dma_wait3A_155 = arith.constant 0 : i32
      %dma_wait3A_156 = arith.constant 0 : i32
      %dma_wait3A_157 = tpu.memref_slice %arg11[%dma_wait3A_153, %dma_wait3A_155, %dma_wait3A_156] : memref<2x128x128xf32, #tpu.memory_space<vmem>> -> memref<1x128x128xf32, #tpu.memory_space<vmem>>
      %dma_wait3A_158 = tpu.memref_squeeze %dma_wait3A_157 : memref<1x128x128xf32, #tpu.memory_space<vmem>> -> memref<128x128xf32, #tpu.memory_space<vmem>>
      %dma_wait3A_159 = arith.constant 0 : i32
      %dma_wait3A_160 = tpu.memref_slice %arg7[%dma_wait3A_152, %dma_wait3A_159] : memref<8x128xi32, #tpu.memory_space<vmem>> -> memref<1x128xi32, #tpu.memory_space<vmem>>
      %dma_wait3A_161 = tpu.memref_squeeze %dma_wait3A_160 : memref<1x128xi32, #tpu.memory_space<vmem>> -> memref<128xi32, #tpu.memory_space<vmem>>
      %dma_wait3A_162 = arith.constant 0 : i32
      %dma_wait3A_163 = arith.constant 0 : i32
      %dma_wait3A_164 = tpu.memref_slice %arg2[%dma_wait3A_162, %dma_wait3A_163] : memref<80000x128xf32, #tpu.memory_space<hbm>> -> memref<80000x128xf32, #tpu.memory_space<hbm>>
      %dma_wait3A_165 = tpu.memref_slice %arg13[%dma_wait3A_154] : memref<2x!tpu.dma_semaphore, #tpu.memory_space<semaphore_mem>> -> memref<1x!tpu.dma_semaphore, #tpu.memory_space<semaphore_mem>>
      %dma_wait3A_166 = tpu.memref_squeeze %dma_wait3A_165 : memref<1x!tpu.dma_semaphore, #tpu.memory_space<semaphore_mem>> -> memref<!tpu.dma_semaphore, #tpu.memory_space<semaphore_mem>>
      tpu.wait_indirect_dma semaphore(%dma_wait3A_166 : memref<!tpu.dma_semaphore, #tpu.memory_space<semaphore_mem>>) src(%dma_wait3A_164 : memref<80000x128xf32, #tpu.memory_space<hbm>>) dst(%dma_wait3A_158 : memref<128x128xf32, #tpu.memory_space<vmem>>)
      %run_scoped3A_167 = arith.constant 1 : i32
      %run_scoped3A_168 = arith.constant 1 : i32
      "tpu.region"() ({
        %run_scoped3A_728 = tpu.sem_alloc : memref<!tpu.dma_semaphore, #tpu.memory_space<semaphore_mem>>
        %dma_start3A_729 = arith.constant 0 : i32
        %dma_start3A_730 = arith.constant 0 : i32
        %dma_start3A_731 = tpu.memref_slice %arg11[%run_scoped3A_167, %dma_start3A_729, %dma_start3A_730] : memref<2x128x128xf32, #tpu.memory_space<vmem>> -> memref<1x128x128xf32, #tpu.memory_space<vmem>>
        %dma_start3A_732 = tpu.memref_squeeze %dma_start3A_731 : memref<1x128x128xf32, #tpu.memory_space<vmem>> -> memref<128x128xf32, #tpu.memory_space<vmem>>
        %dma_start3A_733 = arith.constant 0 : i32
        %dma_start3A_734 = tpu.memref_slice %arg9[%run_scoped3A_168, %dma_start3A_733] : memref<8x128xi32, #tpu.memory_space<vmem>> -> memref<1x128xi32, #tpu.memory_space<vmem>>
        %dma_start3A_735 = tpu.memref_squeeze %dma_start3A_734 : memref<1x128xi32, #tpu.memory_space<vmem>> -> memref<128xi32, #tpu.memory_space<vmem>>
        %dma_start3A_736 = arith.constant 0 : i32
        %dma_start3A_737 = arith.constant 0 : i32
        %dma_start3A_738 = tpu.memref_slice %arg12[%dma_start3A_736, %dma_start3A_737] : memref<10240x128xf32, #tpu.memory_space<vmem_shared>> -> memref<10240x128xf32, #tpu.memory_space<vmem_shared>>
        tpu.enqueue_indirect_dma source(%dma_start3A_732 : memref<128x128xf32, #tpu.memory_space<vmem>>) target(%dma_start3A_738 : memref<10240x128xf32, #tpu.memory_space<vmem_shared>>) offsets(%dma_start3A_735 : memref<128xi32, #tpu.memory_space<vmem>>) semaphore(%run_scoped3A_728 : memref<!tpu.dma_semaphore, #tpu.memory_space<semaphore_mem>>) {add = true}
        %dma_wait3A_739 = arith.constant 0 : i32
        %dma_wait3A_740 = arith.constant 0 : i32
        %dma_wait3A_741 = tpu.memref_slice %arg11[%run_scoped3A_167, %dma_wait3A_739, %dma_wait3A_740] : memref<2x128x128xf32, #tpu.memory_space<vmem>> -> memref<1x128x128xf32, #tpu.memory_space<vmem>>
        %dma_wait3A_742 = tpu.memref_squeeze %dma_wait3A_741 : memref<1x128x128xf32, #tpu.memory_space<vmem>> -> memref<128x128xf32, #tpu.memory_space<vmem>>
        %dma_wait3A_743 = arith.constant 0 : i32
        %dma_wait3A_744 = tpu.memref_slice %arg9[%run_scoped3A_168, %dma_wait3A_743] : memref<8x128xi32, #tpu.memory_space<vmem>> -> memref<1x128xi32, #tpu.memory_space<vmem>>
        %dma_wait3A_745 = tpu.memref_squeeze %dma_wait3A_744 : memref<1x128xi32, #tpu.memory_space<vmem>> -> memref<128xi32, #tpu.memory_space<vmem>>
        %dma_wait3A_746 = arith.constant 0 : i32
        %dma_wait3A_747 = arith.constant 0 : i32
        %dma_wait3A_748 = tpu.memref_slice %arg12[%dma_wait3A_746, %dma_wait3A_747] : memref<10240x128xf32, #tpu.memory_space<vmem_shared>> -> memref<10240x128xf32, #tpu.memory_space<vmem_shared>>
        tpu.wait_indirect_dma semaphore(%run_scoped3A_728 : memref<!tpu.dma_semaphore, #tpu.memory_space<semaphore_mem>>) src(%dma_wait3A_742 : memref<128x128xf32, #tpu.memory_space<vmem>>) dst(%dma_wait3A_748 : memref<10240x128xf32, #tpu.memory_space<vmem_shared>>)
        tpu.yield
      }) : () -> ()
      %dma_start3A_169 = arith.constant 3 : i32
      %dma_start3A_170 = arith.constant 1 : i32
      %dma_start3A_171 = arith.constant 1 : i32
      %dma_start3A_172 = arith.constant 0 : i32
      %dma_start3A_173 = arith.constant 0 : i32
      %dma_start3A_174 = tpu.memref_slice %arg11[%dma_start3A_170, %dma_start3A_172, %dma_start3A_173] : memref<2x128x128xf32, #tpu.memory_space<vmem>> -> memref<1x128x128xf32, #tpu.memory_space<vmem>>
      %dma_start3A_175 = tpu.memref_squeeze %dma_start3A_174 : memref<1x128x128xf32, #tpu.memory_space<vmem>> -> memref<128x128xf32, #tpu.memory_space<vmem>>
      %dma_start3A_176 = arith.constant 0 : i32
      %dma_start3A_177 = tpu.memref_slice %arg7[%dma_start3A_169, %dma_start3A_176] : memref<8x128xi32, #tpu.memory_space<vmem>> -> memref<1x128xi32, #tpu.memory_space<vmem>>
      %dma_start3A_178 = tpu.memref_squeeze %dma_start3A_177 : memref<1x128xi32, #tpu.memory_space<vmem>> -> memref<128xi32, #tpu.memory_space<vmem>>
      %dma_start3A_179 = arith.constant 0 : i32
      %dma_start3A_180 = arith.constant 0 : i32
      %dma_start3A_181 = tpu.memref_slice %arg2[%dma_start3A_179, %dma_start3A_180] : memref<80000x128xf32, #tpu.memory_space<hbm>> -> memref<80000x128xf32, #tpu.memory_space<hbm>>
      %dma_start3A_182 = tpu.memref_slice %arg13[%dma_start3A_171] : memref<2x!tpu.dma_semaphore, #tpu.memory_space<semaphore_mem>> -> memref<1x!tpu.dma_semaphore, #tpu.memory_space<semaphore_mem>>
      %dma_start3A_183 = tpu.memref_squeeze %dma_start3A_182 : memref<1x!tpu.dma_semaphore, #tpu.memory_space<semaphore_mem>> -> memref<!tpu.dma_semaphore, #tpu.memory_space<semaphore_mem>>
      tpu.enqueue_indirect_dma source(%dma_start3A_181 : memref<80000x128xf32, #tpu.memory_space<hbm>>) target(%dma_start3A_175 : memref<128x128xf32, #tpu.memory_space<vmem>>) offsets(%dma_start3A_178 : memref<128xi32, #tpu.memory_space<vmem>>) semaphore(%dma_start3A_183 : memref<!tpu.dma_semaphore, #tpu.memory_space<semaphore_mem>>)
      %add3A_184 = arith.constant 0 : i32
      %add3A_185 = arith.addi %add3A_106, %add3A_184 : i32
      %mul3A_186 = arith.constant 8 : i32
      %mul3A_187 = arith.muli %add3A_185, %mul3A_186 : i32
      %add3A_188 = arith.constant 2 : i32
      %add3A_189 = arith.addi %mul3A_187, %add3A_188 : i32
      %dma_wait3A_190 = arith.constant 2 : i32
      %dma_wait3A_191 = arith.constant 0 : i32
      %dma_wait3A_192 = arith.constant 0 : i32
      %dma_wait3A_193 = arith.constant 0 : i32
      %dma_wait3A_194 = arith.constant 0 : i32
      %dma_wait3A_195 = tpu.memref_slice %arg11[%dma_wait3A_191, %dma_wait3A_193, %dma_wait3A_194] : memref<2x128x128xf32, #tpu.memory_space<vmem>> -> memref<1x128x128xf32, #tpu.memory_space<vmem>>
      %dma_wait3A_196 = tpu.memref_squeeze %dma_wait3A_195 : memref<1x128x128xf32, #tpu.memory_space<vmem>> -> memref<128x128xf32, #tpu.memory_space<vmem>>
      %dma_wait3A_197 = arith.constant 0 : i32
      %dma_wait3A_198 = tpu.memref_slice %arg7[%dma_wait3A_190, %dma_wait3A_197] : memref<8x128xi32, #tpu.memory_space<vmem>> -> memref<1x128xi32, #tpu.memory_space<vmem>>
      %dma_wait3A_199 = tpu.memref_squeeze %dma_wait3A_198 : memref<1x128xi32, #tpu.memory_space<vmem>> -> memref<128xi32, #tpu.memory_space<vmem>>
      %dma_wait3A_200 = arith.constant 0 : i32
      %dma_wait3A_201 = arith.constant 0 : i32
      %dma_wait3A_202 = tpu.memref_slice %arg2[%dma_wait3A_200, %dma_wait3A_201] : memref<80000x128xf32, #tpu.memory_space<hbm>> -> memref<80000x128xf32, #tpu.memory_space<hbm>>
      %dma_wait3A_203 = tpu.memref_slice %arg13[%dma_wait3A_192] : memref<2x!tpu.dma_semaphore, #tpu.memory_space<semaphore_mem>> -> memref<1x!tpu.dma_semaphore, #tpu.memory_space<semaphore_mem>>
      %dma_wait3A_204 = tpu.memref_squeeze %dma_wait3A_203 : memref<1x!tpu.dma_semaphore, #tpu.memory_space<semaphore_mem>> -> memref<!tpu.dma_semaphore, #tpu.memory_space<semaphore_mem>>
      tpu.wait_indirect_dma semaphore(%dma_wait3A_204 : memref<!tpu.dma_semaphore, #tpu.memory_space<semaphore_mem>>) src(%dma_wait3A_202 : memref<80000x128xf32, #tpu.memory_space<hbm>>) dst(%dma_wait3A_196 : memref<128x128xf32, #tpu.memory_space<vmem>>)
      %run_scoped3A_205 = arith.constant 0 : i32
      %run_scoped3A_206 = arith.constant 2 : i32
      "tpu.region"() ({
        %run_scoped3A_728 = tpu.sem_alloc : memref<!tpu.dma_semaphore, #tpu.memory_space<semaphore_mem>>
        %dma_start3A_729 = arith.constant 0 : i32
        %dma_start3A_730 = arith.constant 0 : i32
        %dma_start3A_731 = tpu.memref_slice %arg11[%run_scoped3A_205, %dma_start3A_729, %dma_start3A_730] : memref<2x128x128xf32, #tpu.memory_space<vmem>> -> memref<1x128x128xf32, #tpu.memory_space<vmem>>
        %dma_start3A_732 = tpu.memref_squeeze %dma_start3A_731 : memref<1x128x128xf32, #tpu.memory_space<vmem>> -> memref<128x128xf32, #tpu.memory_space<vmem>>
        %dma_start3A_733 = arith.constant 0 : i32
        %dma_start3A_734 = tpu.memref_slice %arg9[%run_scoped3A_206, %dma_start3A_733] : memref<8x128xi32, #tpu.memory_space<vmem>> -> memref<1x128xi32, #tpu.memory_space<vmem>>
        %dma_start3A_735 = tpu.memref_squeeze %dma_start3A_734 : memref<1x128xi32, #tpu.memory_space<vmem>> -> memref<128xi32, #tpu.memory_space<vmem>>
        %dma_start3A_736 = arith.constant 0 : i32
        %dma_start3A_737 = arith.constant 0 : i32
        %dma_start3A_738 = tpu.memref_slice %arg12[%dma_start3A_736, %dma_start3A_737] : memref<10240x128xf32, #tpu.memory_space<vmem_shared>> -> memref<10240x128xf32, #tpu.memory_space<vmem_shared>>
        tpu.enqueue_indirect_dma source(%dma_start3A_732 : memref<128x128xf32, #tpu.memory_space<vmem>>) target(%dma_start3A_738 : memref<10240x128xf32, #tpu.memory_space<vmem_shared>>) offsets(%dma_start3A_735 : memref<128xi32, #tpu.memory_space<vmem>>) semaphore(%run_scoped3A_728 : memref<!tpu.dma_semaphore, #tpu.memory_space<semaphore_mem>>) {add = true}
        %dma_wait3A_739 = arith.constant 0 : i32
        %dma_wait3A_740 = arith.constant 0 : i32
        %dma_wait3A_741 = tpu.memref_slice %arg11[%run_scoped3A_205, %dma_wait3A_739, %dma_wait3A_740] : memref<2x128x128xf32, #tpu.memory_space<vmem>> -> memref<1x128x128xf32, #tpu.memory_space<vmem>>
        %dma_wait3A_742 = tpu.memref_squeeze %dma_wait3A_741 : memref<1x128x128xf32, #tpu.memory_space<vmem>> -> memref<128x128xf32, #tpu.memory_space<vmem>>
        %dma_wait3A_743 = arith.constant 0 : i32
        %dma_wait3A_744 = tpu.memref_slice %arg9[%run_scoped3A_206, %dma_wait3A_743] : memref<8x128xi32, #tpu.memory_space<vmem>> -> memref<1x128xi32, #tpu.memory_space<vmem>>
        %dma_wait3A_745 = tpu.memref_squeeze %dma_wait3A_744 : memref<1x128xi32, #tpu.memory_space<vmem>> -> memref<128xi32, #tpu.memory_space<vmem>>
        %dma_wait3A_746 = arith.constant 0 : i32
        %dma_wait3A_747 = arith.constant 0 : i32
        %dma_wait3A_748 = tpu.memref_slice %arg12[%dma_wait3A_746, %dma_wait3A_747] : memref<10240x128xf32, #tpu.memory_space<vmem_shared>> -> memref<10240x128xf32, #tpu.memory_space<vmem_shared>>
        tpu.wait_indirect_dma semaphore(%run_scoped3A_728 : memref<!tpu.dma_semaphore, #tpu.memory_space<semaphore_mem>>) src(%dma_wait3A_742 : memref<128x128xf32, #tpu.memory_space<vmem>>) dst(%dma_wait3A_748 : memref<10240x128xf32, #tpu.memory_space<vmem_shared>>)
        tpu.yield
      }) : () -> ()
      %dma_start3A_207 = arith.constant 4 : i32
      %dma_start3A_208 = arith.constant 0 : i32
      %dma_start3A_209 = arith.constant 0 : i32
      %dma_start3A_210 = arith.constant 0 : i32
      %dma_start3A_211 = arith.constant 0 : i32
      %dma_start3A_212 = tpu.memref_slice %arg11[%dma_start3A_208, %dma_start3A_210, %dma_start3A_211] : memref<2x128x128xf32, #tpu.memory_space<vmem>> -> memref<1x128x128xf32, #tpu.memory_space<vmem>>
      %dma_start3A_213 = tpu.memref_squeeze %dma_start3A_212 : memref<1x128x128xf32, #tpu.memory_space<vmem>> -> memref<128x128xf32, #tpu.memory_space<vmem>>
      %dma_start3A_214 = arith.constant 0 : i32
      %dma_start3A_215 = tpu.memref_slice %arg7[%dma_start3A_207, %dma_start3A_214] : memref<8x128xi32, #tpu.memory_space<vmem>> -> memref<1x128xi32, #tpu.memory_space<vmem>>
      %dma_start3A_216 = tpu.memref_squeeze %dma_start3A_215 : memref<1x128xi32, #tpu.memory_space<vmem>> -> memref<128xi32, #tpu.memory_space<vmem>>
      %dma_start3A_217 = arith.constant 0 : i32
      %dma_start3A_218 = arith.constant 0 : i32
      %dma_start3A_219 = tpu.memref_slice %arg2[%dma_start3A_217, %dma_start3A_218] : memref<80000x128xf32, #tpu.memory_space<hbm>> -> memref<80000x128xf32, #tpu.memory_space<hbm>>
      %dma_start3A_220 = tpu.memref_slice %arg13[%dma_start3A_209] : memref<2x!tpu.dma_semaphore, #tpu.memory_space<semaphore_mem>> -> memref<1x!tpu.dma_semaphore, #tpu.memory_space<semaphore_mem>>
      %dma_start3A_221 = tpu.memref_squeeze %dma_start3A_220 : memref<1x!tpu.dma_semaphore, #tpu.memory_space<semaphore_mem>> -> memref<!tpu.dma_semaphore, #tpu.memory_space<semaphore_mem>>
      tpu.enqueue_indirect_dma source(%dma_start3A_219 : memref<80000x128xf32, #tpu.memory_space<hbm>>) target(%dma_start3A_213 : memref<128x128xf32, #tpu.memory_space<vmem>>) offsets(%dma_start3A_216 : memref<128xi32, #tpu.memory_space<vmem>>) semaphore(%dma_start3A_221 : memref<!tpu.dma_semaphore, #tpu.memory_space<semaphore_mem>>)
      %add3A_222 = arith.constant 0 : i32
      %add3A_223 = arith.addi %add3A_106, %add3A_222 : i32
      %mul3A_224 = arith.constant 8 : i32
      %mul3A_225 = arith.muli %add3A_223, %mul3A_224 : i32
      %add3A_226 = arith.constant 3 : i32
      %add3A_227 = arith.addi %mul3A_225, %add3A_226 : i32
      %dma_wait3A_228 = arith.constant 3 : i32
      %dma_wait3A_229 = arith.constant 1 : i32
      %dma_wait3A_230 = arith.constant 1 : i32
      %dma_wait3A_231 = arith.constant 0 : i32
      %dma_wait3A_232 = arith.constant 0 : i32
      %dma_wait3A_233 = tpu.memref_slice %arg11[%dma_wait3A_229, %dma_wait3A_231, %dma_wait3A_232] : memref<2x128x128xf32, #tpu.memory_space<vmem>> -> memref<1x128x128xf32, #tpu.memory_space<vmem>>
      %dma_wait3A_234 = tpu.memref_squeeze %dma_wait3A_233 : memref<1x128x128xf32, #tpu.memory_space<vmem>> -> memref<128x128xf32, #tpu.memory_space<vmem>>
      %dma_wait3A_235 = arith.constant 0 : i32
      %dma_wait3A_236 = tpu.memref_slice %arg7[%dma_wait3A_228, %dma_wait3A_235] : memref<8x128xi32, #tpu.memory_space<vmem>> -> memref<1x128xi32, #tpu.memory_space<vmem>>
      %dma_wait3A_237 = tpu.memref_squeeze %dma_wait3A_236 : memref<1x128xi32, #tpu.memory_space<vmem>> -> memref<128xi32, #tpu.memory_space<vmem>>
      %dma_wait3A_238 = arith.constant 0 : i32
      %dma_wait3A_239 = arith.constant 0 : i32
      %dma_wait3A_240 = tpu.memref_slice %arg2[%dma_wait3A_238, %dma_wait3A_239] : memref<80000x128xf32, #tpu.memory_space<hbm>> -> memref<80000x128xf32, #tpu.memory_space<hbm>>
      %dma_wait3A_241 = tpu.memref_slice %arg13[%dma_wait3A_230] : memref<2x!tpu.dma_semaphore, #tpu.memory_space<semaphore_mem>> -> memref<1x!tpu.dma_semaphore, #tpu.memory_space<semaphore_mem>>
      %dma_wait3A_242 = tpu.memref_squeeze %dma_wait3A_241 : memref<1x!tpu.dma_semaphore, #tpu.memory_space<semaphore_mem>> -> memref<!tpu.dma_semaphore, #tpu.memory_space<semaphore_mem>>
      tpu.wait_indirect_dma semaphore(%dma_wait3A_242 : memref<!tpu.dma_semaphore, #tpu.memory_space<semaphore_mem>>) src(%dma_wait3A_240 : memref<80000x128xf32, #tpu.memory_space<hbm>>) dst(%dma_wait3A_234 : memref<128x128xf32, #tpu.memory_space<vmem>>)
      %run_scoped3A_243 = arith.constant 1 : i32
      %run_scoped3A_244 = arith.constant 3 : i32
      "tpu.region"() ({
        %run_scoped3A_728 = tpu.sem_alloc : memref<!tpu.dma_semaphore, #tpu.memory_space<semaphore_mem>>
        %dma_start3A_729 = arith.constant 0 : i32
        %dma_start3A_730 = arith.constant 0 : i32
        %dma_start3A_731 = tpu.memref_slice %arg11[%run_scoped3A_243, %dma_start3A_729, %dma_start3A_730] : memref<2x128x128xf32, #tpu.memory_space<vmem>> -> memref<1x128x128xf32, #tpu.memory_space<vmem>>
        %dma_start3A_732 = tpu.memref_squeeze %dma_start3A_731 : memref<1x128x128xf32, #tpu.memory_space<vmem>> -> memref<128x128xf32, #tpu.memory_space<vmem>>
        %dma_start3A_733 = arith.constant 0 : i32
        %dma_start3A_734 = tpu.memref_slice %arg9[%run_scoped3A_244, %dma_start3A_733] : memref<8x128xi32, #tpu.memory_space<vmem>> -> memref<1x128xi32, #tpu.memory_space<vmem>>
        %dma_start3A_735 = tpu.memref_squeeze %dma_start3A_734 : memref<1x128xi32, #tpu.memory_space<vmem>> -> memref<128xi32, #tpu.memory_space<vmem>>
        %dma_start3A_736 = arith.constant 0 : i32
        %dma_start3A_737 = arith.constant 0 : i32
        %dma_start3A_738 = tpu.memref_slice %arg12[%dma_start3A_736, %dma_start3A_737] : memref<10240x128xf32, #tpu.memory_space<vmem_shared>> -> memref<10240x128xf32, #tpu.memory_space<vmem_shared>>
        tpu.enqueue_indirect_dma source(%dma_start3A_732 : memref<128x128xf32, #tpu.memory_space<vmem>>) target(%dma_start3A_738 : memref<10240x128xf32, #tpu.memory_space<vmem_shared>>) offsets(%dma_start3A_735 : memref<128xi32, #tpu.memory_space<vmem>>) semaphore(%run_scoped3A_728 : memref<!tpu.dma_semaphore, #tpu.memory_space<semaphore_mem>>) {add = true}
        %dma_wait3A_739 = arith.constant 0 : i32
        %dma_wait3A_740 = arith.constant 0 : i32
        %dma_wait3A_741 = tpu.memref_slice %arg11[%run_scoped3A_243, %dma_wait3A_739, %dma_wait3A_740] : memref<2x128x128xf32, #tpu.memory_space<vmem>> -> memref<1x128x128xf32, #tpu.memory_space<vmem>>
        %dma_wait3A_742 = tpu.memref_squeeze %dma_wait3A_741 : memref<1x128x128xf32, #tpu.memory_space<vmem>> -> memref<128x128xf32, #tpu.memory_space<vmem>>
        %dma_wait3A_743 = arith.constant 0 : i32
        %dma_wait3A_744 = tpu.memref_slice %arg9[%run_scoped3A_244, %dma_wait3A_743] : memref<8x128xi32, #tpu.memory_space<vmem>> -> memref<1x128xi32, #tpu.memory_space<vmem>>
        %dma_wait3A_745 = tpu.memref_squeeze %dma_wait3A_744 : memref<1x128xi32, #tpu.memory_space<vmem>> -> memref<128xi32, #tpu.memory_space<vmem>>
        %dma_wait3A_746 = arith.constant 0 : i32
        %dma_wait3A_747 = arith.constant 0 : i32
        %dma_wait3A_748 = tpu.memref_slice %arg12[%dma_wait3A_746, %dma_wait3A_747] : memref<10240x128xf32, #tpu.memory_space<vmem_shared>> -> memref<10240x128xf32, #tpu.memory_space<vmem_shared>>
        tpu.wait_indirect_dma semaphore(%run_scoped3A_728 : memref<!tpu.dma_semaphore, #tpu.memory_space<semaphore_mem>>) src(%dma_wait3A_742 : memref<128x128xf32, #tpu.memory_space<vmem>>) dst(%dma_wait3A_748 : memref<10240x128xf32, #tpu.memory_space<vmem_shared>>)
        tpu.yield
      }) : () -> ()
      %dma_start3A_245 = arith.constant 5 : i32
      %dma_start3A_246 = arith.constant 1 : i32
      %dma_start3A_247 = arith.constant 1 : i32
      %dma_start3A_248 = arith.constant 0 : i32
      %dma_start3A_249 = arith.constant 0 : i32
      %dma_start3A_250 = tpu.memref_slice %arg11[%dma_start3A_246, %dma_start3A_248, %dma_start3A_249] : memref<2x128x128xf32, #tpu.memory_space<vmem>> -> memref<1x128x128xf32, #tpu.memory_space<vmem>>
      %dma_start3A_251 = tpu.memref_squeeze %dma_start3A_250 : memref<1x128x128xf32, #tpu.memory_space<vmem>> -> memref<128x128xf32, #tpu.memory_space<vmem>>
      %dma_start3A_252 = arith.constant 0 : i32
      %dma_start3A_253 = tpu.memref_slice %arg7[%dma_start3A_245, %dma_start3A_252] : memref<8x128xi32, #tpu.memory_space<vmem>> -> memref<1x128xi32, #tpu.memory_space<vmem>>
      %dma_start3A_254 = tpu.memref_squeeze %dma_start3A_253 : memref<1x128xi32, #tpu.memory_space<vmem>> -> memref<128xi32, #tpu.memory_space<vmem>>
      %dma_start3A_255 = arith.constant 0 : i32
      %dma_start3A_256 = arith.constant 0 : i32
      %dma_start3A_257 = tpu.memref_slice %arg2[%dma_start3A_255, %dma_start3A_256] : memref<80000x128xf32, #tpu.memory_space<hbm>> -> memref<80000x128xf32, #tpu.memory_space<hbm>>
      %dma_start3A_258 = tpu.memref_slice %arg13[%dma_start3A_247] : memref<2x!tpu.dma_semaphore, #tpu.memory_space<semaphore_mem>> -> memref<1x!tpu.dma_semaphore, #tpu.memory_space<semaphore_mem>>
      %dma_start3A_259 = tpu.memref_squeeze %dma_start3A_258 : memref<1x!tpu.dma_semaphore, #tpu.memory_space<semaphore_mem>> -> memref<!tpu.dma_semaphore, #tpu.memory_space<semaphore_mem>>
      tpu.enqueue_indirect_dma source(%dma_start3A_257 : memref<80000x128xf32, #tpu.memory_space<hbm>>) target(%dma_start3A_251 : memref<128x128xf32, #tpu.memory_space<vmem>>) offsets(%dma_start3A_254 : memref<128xi32, #tpu.memory_space<vmem>>) semaphore(%dma_start3A_259 : memref<!tpu.dma_semaphore, #tpu.memory_space<semaphore_mem>>)
      %add3A_260 = arith.constant 0 : i32
      %add3A_261 = arith.addi %add3A_106, %add3A_260 : i32
      %mul3A_262 = arith.constant 8 : i32
      %mul3A_263 = arith.muli %add3A_261, %mul3A_262 : i32
      %add3A_264 = arith.constant 4 : i32
      %add3A_265 = arith.addi %mul3A_263, %add3A_264 : i32
      %dma_wait3A_266 = arith.constant 4 : i32
      %dma_wait3A_267 = arith.constant 0 : i32
      %dma_wait3A_268 = arith.constant 0 : i32
      %dma_wait3A_269 = arith.constant 0 : i32
      %dma_wait3A_270 = arith.constant 0 : i32
      %dma_wait3A_271 = tpu.memref_slice %arg11[%dma_wait3A_267, %dma_wait3A_269, %dma_wait3A_270] : memref<2x128x128xf32, #tpu.memory_space<vmem>> -> memref<1x128x128xf32, #tpu.memory_space<vmem>>
      %dma_wait3A_272 = tpu.memref_squeeze %dma_wait3A_271 : memref<1x128x128xf32, #tpu.memory_space<vmem>> -> memref<128x128xf32, #tpu.memory_space<vmem>>
      %dma_wait3A_273 = arith.constant 0 : i32
      %dma_wait3A_274 = tpu.memref_slice %arg7[%dma_wait3A_266, %dma_wait3A_273] : memref<8x128xi32, #tpu.memory_space<vmem>> -> memref<1x128xi32, #tpu.memory_space<vmem>>
      %dma_wait3A_275 = tpu.memref_squeeze %dma_wait3A_274 : memref<1x128xi32, #tpu.memory_space<vmem>> -> memref<128xi32, #tpu.memory_space<vmem>>
      %dma_wait3A_276 = arith.constant 0 : i32
      %dma_wait3A_277 = arith.constant 0 : i32
      %dma_wait3A_278 = tpu.memref_slice %arg2[%dma_wait3A_276, %dma_wait3A_277] : memref<80000x128xf32, #tpu.memory_space<hbm>> -> memref<80000x128xf32, #tpu.memory_space<hbm>>
      %dma_wait3A_279 = tpu.memref_slice %arg13[%dma_wait3A_268] : memref<2x!tpu.dma_semaphore, #tpu.memory_space<semaphore_mem>> -> memref<1x!tpu.dma_semaphore, #tpu.memory_space<semaphore_mem>>
      %dma_wait3A_280 = tpu.memref_squeeze %dma_wait3A_279 : memref<1x!tpu.dma_semaphore, #tpu.memory_space<semaphore_mem>> -> memref<!tpu.dma_semaphore, #tpu.memory_space<semaphore_mem>>
      tpu.wait_indirect_dma semaphore(%dma_wait3A_280 : memref<!tpu.dma_semaphore, #tpu.memory_space<semaphore_mem>>) src(%dma_wait3A_278 : memref<80000x128xf32, #tpu.memory_space<hbm>>) dst(%dma_wait3A_272 : memref<128x128xf32, #tpu.memory_space<vmem>>)
      %run_scoped3A_281 = arith.constant 0 : i32
      %run_scoped3A_282 = arith.constant 4 : i32
      "tpu.region"() ({
        %run_scoped3A_728 = tpu.sem_alloc : memref<!tpu.dma_semaphore, #tpu.memory_space<semaphore_mem>>
        %dma_start3A_729 = arith.constant 0 : i32
        %dma_start3A_730 = arith.constant 0 : i32
        %dma_start3A_731 = tpu.memref_slice %arg11[%run_scoped3A_281, %dma_start3A_729, %dma_start3A_730] : memref<2x128x128xf32, #tpu.memory_space<vmem>> -> memref<1x128x128xf32, #tpu.memory_space<vmem>>
        %dma_start3A_732 = tpu.memref_squeeze %dma_start3A_731 : memref<1x128x128xf32, #tpu.memory_space<vmem>> -> memref<128x128xf32, #tpu.memory_space<vmem>>
        %dma_start3A_733 = arith.constant 0 : i32
        %dma_start3A_734 = tpu.memref_slice %arg9[%run_scoped3A_282, %dma_start3A_733] : memref<8x128xi32, #tpu.memory_space<vmem>> -> memref<1x128xi32, #tpu.memory_space<vmem>>
        %dma_start3A_735 = tpu.memref_squeeze %dma_start3A_734 : memref<1x128xi32, #tpu.memory_space<vmem>> -> memref<128xi32, #tpu.memory_space<vmem>>
        %dma_start3A_736 = arith.constant 0 : i32
        %dma_start3A_737 = arith.constant 0 : i32
        %dma_start3A_738 = tpu.memref_slice %arg12[%dma_start3A_736, %dma_start3A_737] : memref<10240x128xf32, #tpu.memory_space<vmem_shared>> -> memref<10240x128xf32, #tpu.memory_space<vmem_shared>>
        tpu.enqueue_indirect_dma source(%dma_start3A_732 : memref<128x128xf32, #tpu.memory_space<vmem>>) target(%dma_start3A_738 : memref<10240x128xf32, #tpu.memory_space<vmem_shared>>) offsets(%dma_start3A_735 : memref<128xi32, #tpu.memory_space<vmem>>) semaphore(%run_scoped3A_728 : memref<!tpu.dma_semaphore, #tpu.memory_space<semaphore_mem>>) {add = true}
        %dma_wait3A_739 = arith.constant 0 : i32
        %dma_wait3A_740 = arith.constant 0 : i32
        %dma_wait3A_741 = tpu.memref_slice %arg11[%run_scoped3A_281, %dma_wait3A_739, %dma_wait3A_740] : memref<2x128x128xf32, #tpu.memory_space<vmem>> -> memref<1x128x128xf32, #tpu.memory_space<vmem>>
        %dma_wait3A_742 = tpu.memref_squeeze %dma_wait3A_741 : memref<1x128x128xf32, #tpu.memory_space<vmem>> -> memref<128x128xf32, #tpu.memory_space<vmem>>
        %dma_wait3A_743 = arith.constant 0 : i32
        %dma_wait3A_744 = tpu.memref_slice %arg9[%run_scoped3A_282, %dma_wait3A_743] : memref<8x128xi32, #tpu.memory_space<vmem>> -> memref<1x128xi32, #tpu.memory_space<vmem>>
        %dma_wait3A_745 = tpu.memref_squeeze %dma_wait3A_744 : memref<1x128xi32, #tpu.memory_space<vmem>> -> memref<128xi32, #tpu.memory_space<vmem>>
        %dma_wait3A_746 = arith.constant 0 : i32
        %dma_wait3A_747 = arith.constant 0 : i32
        %dma_wait3A_748 = tpu.memref_slice %arg12[%dma_wait3A_746, %dma_wait3A_747] : memref<10240x128xf32, #tpu.memory_space<vmem_shared>> -> memref<10240x128xf32, #tpu.memory_space<vmem_shared>>
        tpu.wait_indirect_dma semaphore(%run_scoped3A_728 : memref<!tpu.dma_semaphore, #tpu.memory_space<semaphore_mem>>) src(%dma_wait3A_742 : memref<128x128xf32, #tpu.memory_space<vmem>>) dst(%dma_wait3A_748 : memref<10240x128xf32, #tpu.memory_space<vmem_shared>>)
        tpu.yield
      }) : () -> ()
      %dma_start3A_283 = arith.constant 6 : i32
      %dma_start3A_284 = arith.constant 0 : i32
      %dma_start3A_285 = arith.constant 0 : i32
      %dma_start3A_286 = arith.constant 0 : i32
      %dma_start3A_287 = arith.constant 0 : i32
      %dma_start3A_288 = tpu.memref_slice %arg11[%dma_start3A_284, %dma_start3A_286, %dma_start3A_287] : memref<2x128x128xf32, #tpu.memory_space<vmem>> -> memref<1x128x128xf32, #tpu.memory_space<vmem>>
      %dma_start3A_289 = tpu.memref_squeeze %dma_start3A_288 : memref<1x128x128xf32, #tpu.memory_space<vmem>> -> memref<128x128xf32, #tpu.memory_space<vmem>>
      %dma_start3A_290 = arith.constant 0 : i32
      %dma_start3A_291 = tpu.memref_slice %arg7[%dma_start3A_283, %dma_start3A_290] : memref<8x128xi32, #tpu.memory_space<vmem>> -> memref<1x128xi32, #tpu.memory_space<vmem>>
      %dma_start3A_292 = tpu.memref_squeeze %dma_start3A_291 : memref<1x128xi32, #tpu.memory_space<vmem>> -> memref<128xi32, #tpu.memory_space<vmem>>
      %dma_start3A_293 = arith.constant 0 : i32
      %dma_start3A_294 = arith.constant 0 : i32
      %dma_start3A_295 = tpu.memref_slice %arg2[%dma_start3A_293, %dma_start3A_294] : memref<80000x128xf32, #tpu.memory_space<hbm>> -> memref<80000x128xf32, #tpu.memory_space<hbm>>
      %dma_start3A_296 = tpu.memref_slice %arg13[%dma_start3A_285] : memref<2x!tpu.dma_semaphore, #tpu.memory_space<semaphore_mem>> -> memref<1x!tpu.dma_semaphore, #tpu.memory_space<semaphore_mem>>
      %dma_start3A_297 = tpu.memref_squeeze %dma_start3A_296 : memref<1x!tpu.dma_semaphore, #tpu.memory_space<semaphore_mem>> -> memref<!tpu.dma_semaphore, #tpu.memory_space<semaphore_mem>>
      tpu.enqueue_indirect_dma source(%dma_start3A_295 : memref<80000x128xf32, #tpu.memory_space<hbm>>) target(%dma_start3A_289 : memref<128x128xf32, #tpu.memory_space<vmem>>) offsets(%dma_start3A_292 : memref<128xi32, #tpu.memory_space<vmem>>) semaphore(%dma_start3A_297 : memref<!tpu.dma_semaphore, #tpu.memory_space<semaphore_mem>>)
      %add3A_298 = arith.constant 0 : i32
      %add3A_299 = arith.addi %add3A_106, %add3A_298 : i32
      %mul3A_300 = arith.constant 8 : i32
      %mul3A_301 = arith.muli %add3A_299, %mul3A_300 : i32
      %add3A_302 = arith.constant 5 : i32
      %add3A_303 = arith.addi %mul3A_301, %add3A_302 : i32
      %dma_wait3A_304 = arith.constant 5 : i32
      %dma_wait3A_305 = arith.constant 1 : i32
      %dma_wait3A_306 = arith.constant 1 : i32
      %dma_wait3A_307 = arith.constant 0 : i32
      %dma_wait3A_308 = arith.constant 0 : i32
      %dma_wait3A_309 = tpu.memref_slice %arg11[%dma_wait3A_305, %dma_wait3A_307, %dma_wait3A_308] : memref<2x128x128xf32, #tpu.memory_space<vmem>> -> memref<1x128x128xf32, #tpu.memory_space<vmem>>
      %dma_wait3A_310 = tpu.memref_squeeze %dma_wait3A_309 : memref<1x128x128xf32, #tpu.memory_space<vmem>> -> memref<128x128xf32, #tpu.memory_space<vmem>>
      %dma_wait3A_311 = arith.constant 0 : i32
      %dma_wait3A_312 = tpu.memref_slice %arg7[%dma_wait3A_304, %dma_wait3A_311] : memref<8x128xi32, #tpu.memory_space<vmem>> -> memref<1x128xi32, #tpu.memory_space<vmem>>
      %dma_wait3A_313 = tpu.memref_squeeze %dma_wait3A_312 : memref<1x128xi32, #tpu.memory_space<vmem>> -> memref<128xi32, #tpu.memory_space<vmem>>
      %dma_wait3A_314 = arith.constant 0 : i32
      %dma_wait3A_315 = arith.constant 0 : i32
      %dma_wait3A_316 = tpu.memref_slice %arg2[%dma_wait3A_314, %dma_wait3A_315] : memref<80000x128xf32, #tpu.memory_space<hbm>> -> memref<80000x128xf32, #tpu.memory_space<hbm>>
      %dma_wait3A_317 = tpu.memref_slice %arg13[%dma_wait3A_306] : memref<2x!tpu.dma_semaphore, #tpu.memory_space<semaphore_mem>> -> memref<1x!tpu.dma_semaphore, #tpu.memory_space<semaphore_mem>>
      %dma_wait3A_318 = tpu.memref_squeeze %dma_wait3A_317 : memref<1x!tpu.dma_semaphore, #tpu.memory_space<semaphore_mem>> -> memref<!tpu.dma_semaphore, #tpu.memory_space<semaphore_mem>>
      tpu.wait_indirect_dma semaphore(%dma_wait3A_318 : memref<!tpu.dma_semaphore, #tpu.memory_space<semaphore_mem>>) src(%dma_wait3A_316 : memref<80000x128xf32, #tpu.memory_space<hbm>>) dst(%dma_wait3A_310 : memref<128x128xf32, #tpu.memory_space<vmem>>)
      %run_scoped3A_319 = arith.constant 1 : i32
      %run_scoped3A_320 = arith.constant 5 : i32
      "tpu.region"() ({
        %run_scoped3A_728 = tpu.sem_alloc : memref<!tpu.dma_semaphore, #tpu.memory_space<semaphore_mem>>
        %dma_start3A_729 = arith.constant 0 : i32
        %dma_start3A_730 = arith.constant 0 : i32
        %dma_start3A_731 = tpu.memref_slice %arg11[%run_scoped3A_319, %dma_start3A_729, %dma_start3A_730] : memref<2x128x128xf32, #tpu.memory_space<vmem>> -> memref<1x128x128xf32, #tpu.memory_space<vmem>>
        %dma_start3A_732 = tpu.memref_squeeze %dma_start3A_731 : memref<1x128x128xf32, #tpu.memory_space<vmem>> -> memref<128x128xf32, #tpu.memory_space<vmem>>
        %dma_start3A_733 = arith.constant 0 : i32
        %dma_start3A_734 = tpu.memref_slice %arg9[%run_scoped3A_320, %dma_start3A_733] : memref<8x128xi32, #tpu.memory_space<vmem>> -> memref<1x128xi32, #tpu.memory_space<vmem>>
        %dma_start3A_735 = tpu.memref_squeeze %dma_start3A_734 : memref<1x128xi32, #tpu.memory_space<vmem>> -> memref<128xi32, #tpu.memory_space<vmem>>
        %dma_start3A_736 = arith.constant 0 : i32
        %dma_start3A_737 = arith.constant 0 : i32
        %dma_start3A_738 = tpu.memref_slice %arg12[%dma_start3A_736, %dma_start3A_737] : memref<10240x128xf32, #tpu.memory_space<vmem_shared>> -> memref<10240x128xf32, #tpu.memory_space<vmem_shared>>
        tpu.enqueue_indirect_dma source(%dma_start3A_732 : memref<128x128xf32, #tpu.memory_space<vmem>>) target(%dma_start3A_738 : memref<10240x128xf32, #tpu.memory_space<vmem_shared>>) offsets(%dma_start3A_735 : memref<128xi32, #tpu.memory_space<vmem>>) semaphore(%run_scoped3A_728 : memref<!tpu.dma_semaphore, #tpu.memory_space<semaphore_mem>>) {add = true}
        %dma_wait3A_739 = arith.constant 0 : i32
        %dma_wait3A_740 = arith.constant 0 : i32
        %dma_wait3A_741 = tpu.memref_slice %arg11[%run_scoped3A_319, %dma_wait3A_739, %dma_wait3A_740] : memref<2x128x128xf32, #tpu.memory_space<vmem>> -> memref<1x128x128xf32, #tpu.memory_space<vmem>>
        %dma_wait3A_742 = tpu.memref_squeeze %dma_wait3A_741 : memref<1x128x128xf32, #tpu.memory_space<vmem>> -> memref<128x128xf32, #tpu.memory_space<vmem>>
        %dma_wait3A_743 = arith.constant 0 : i32
        %dma_wait3A_744 = tpu.memref_slice %arg9[%run_scoped3A_320, %dma_wait3A_743] : memref<8x128xi32, #tpu.memory_space<vmem>> -> memref<1x128xi32, #tpu.memory_space<vmem>>
        %dma_wait3A_745 = tpu.memref_squeeze %dma_wait3A_744 : memref<1x128xi32, #tpu.memory_space<vmem>> -> memref<128xi32, #tpu.memory_space<vmem>>
        %dma_wait3A_746 = arith.constant 0 : i32
        %dma_wait3A_747 = arith.constant 0 : i32
        %dma_wait3A_748 = tpu.memref_slice %arg12[%dma_wait3A_746, %dma_wait3A_747] : memref<10240x128xf32, #tpu.memory_space<vmem_shared>> -> memref<10240x128xf32, #tpu.memory_space<vmem_shared>>
        tpu.wait_indirect_dma semaphore(%run_scoped3A_728 : memref<!tpu.dma_semaphore, #tpu.memory_space<semaphore_mem>>) src(%dma_wait3A_742 : memref<128x128xf32, #tpu.memory_space<vmem>>) dst(%dma_wait3A_748 : memref<10240x128xf32, #tpu.memory_space<vmem_shared>>)
        tpu.yield
      }) : () -> ()
      %dma_start3A_321 = arith.constant 7 : i32
      %dma_start3A_322 = arith.constant 1 : i32
      %dma_start3A_323 = arith.constant 1 : i32
      %dma_start3A_324 = arith.constant 0 : i32
      %dma_start3A_325 = arith.constant 0 : i32
      %dma_start3A_326 = tpu.memref_slice %arg11[%dma_start3A_322, %dma_start3A_324, %dma_start3A_325] : memref<2x128x128xf32, #tpu.memory_space<vmem>> -> memref<1x128x128xf32, #tpu.memory_space<vmem>>
      %dma_start3A_327 = tpu.memref_squeeze %dma_start3A_326 : memref<1x128x128xf32, #tpu.memory_space<vmem>> -> memref<128x128xf32, #tpu.memory_space<vmem>>
      %dma_start3A_328 = arith.constant 0 : i32
      %dma_start3A_329 = tpu.memref_slice %arg7[%dma_start3A_321, %dma_start3A_328] : memref<8x128xi32, #tpu.memory_space<vmem>> -> memref<1x128xi32, #tpu.memory_space<vmem>>
      %dma_start3A_330 = tpu.memref_squeeze %dma_start3A_329 : memref<1x128xi32, #tpu.memory_space<vmem>> -> memref<128xi32, #tpu.memory_space<vmem>>
      %dma_start3A_331 = arith.constant 0 : i32
      %dma_start3A_332 = arith.constant 0 : i32
      %dma_start3A_333 = tpu.memref_slice %arg2[%dma_start3A_331, %dma_start3A_332] : memref<80000x128xf32, #tpu.memory_space<hbm>> -> memref<80000x128xf32, #tpu.memory_space<hbm>>
      %dma_start3A_334 = tpu.memref_slice %arg13[%dma_start3A_323] : memref<2x!tpu.dma_semaphore, #tpu.memory_space<semaphore_mem>> -> memref<1x!tpu.dma_semaphore, #tpu.memory_space<semaphore_mem>>
      %dma_start3A_335 = tpu.memref_squeeze %dma_start3A_334 : memref<1x!tpu.dma_semaphore, #tpu.memory_space<semaphore_mem>> -> memref<!tpu.dma_semaphore, #tpu.memory_space<semaphore_mem>>
      tpu.enqueue_indirect_dma source(%dma_start3A_333 : memref<80000x128xf32, #tpu.memory_space<hbm>>) target(%dma_start3A_327 : memref<128x128xf32, #tpu.memory_space<vmem>>) offsets(%dma_start3A_330 : memref<128xi32, #tpu.memory_space<vmem>>) semaphore(%dma_start3A_335 : memref<!tpu.dma_semaphore, #tpu.memory_space<semaphore_mem>>)
      %add3A_336 = arith.constant 0 : i32
      %add3A_337 = arith.addi %add3A_106, %add3A_336 : i32
      %mul3A_338 = arith.constant 8 : i32
      %mul3A_339 = arith.muli %add3A_337, %mul3A_338 : i32
      %add3A_340 = arith.constant 6 : i32
      %add3A_341 = arith.addi %mul3A_339, %add3A_340 : i32
      %dma_wait3A_342 = arith.constant 6 : i32
      %dma_wait3A_343 = arith.constant 0 : i32
      %dma_wait3A_344 = arith.constant 0 : i32
      %dma_wait3A_345 = arith.constant 0 : i32
      %dma_wait3A_346 = arith.constant 0 : i32
      %dma_wait3A_347 = tpu.memref_slice %arg11[%dma_wait3A_343, %dma_wait3A_345, %dma_wait3A_346] : memref<2x128x128xf32, #tpu.memory_space<vmem>> -> memref<1x128x128xf32, #tpu.memory_space<vmem>>
      %dma_wait3A_348 = tpu.memref_squeeze %dma_wait3A_347 : memref<1x128x128xf32, #tpu.memory_space<vmem>> -> memref<128x128xf32, #tpu.memory_space<vmem>>
      %dma_wait3A_349 = arith.constant 0 : i32
      %dma_wait3A_350 = tpu.memref_slice %arg7[%dma_wait3A_342, %dma_wait3A_349] : memref<8x128xi32, #tpu.memory_space<vmem>> -> memref<1x128xi32, #tpu.memory_space<vmem>>
      %dma_wait3A_351 = tpu.memref_squeeze %dma_wait3A_350 : memref<1x128xi32, #tpu.memory_space<vmem>> -> memref<128xi32, #tpu.memory_space<vmem>>
      %dma_wait3A_352 = arith.constant 0 : i32
      %dma_wait3A_353 = arith.constant 0 : i32
      %dma_wait3A_354 = tpu.memref_slice %arg2[%dma_wait3A_352, %dma_wait3A_353] : memref<80000x128xf32, #tpu.memory_space<hbm>> -> memref<80000x128xf32, #tpu.memory_space<hbm>>
      %dma_wait3A_355 = tpu.memref_slice %arg13[%dma_wait3A_344] : memref<2x!tpu.dma_semaphore, #tpu.memory_space<semaphore_mem>> -> memref<1x!tpu.dma_semaphore, #tpu.memory_space<semaphore_mem>>
      %dma_wait3A_356 = tpu.memref_squeeze %dma_wait3A_355 : memref<1x!tpu.dma_semaphore, #tpu.memory_space<semaphore_mem>> -> memref<!tpu.dma_semaphore, #tpu.memory_space<semaphore_mem>>
      tpu.wait_indirect_dma semaphore(%dma_wait3A_356 : memref<!tpu.dma_semaphore, #tpu.memory_space<semaphore_mem>>) src(%dma_wait3A_354 : memref<80000x128xf32, #tpu.memory_space<hbm>>) dst(%dma_wait3A_348 : memref<128x128xf32, #tpu.memory_space<vmem>>)
      %run_scoped3A_357 = arith.constant 0 : i32
      %run_scoped3A_358 = arith.constant 6 : i32
      "tpu.region"() ({
        %run_scoped3A_728 = tpu.sem_alloc : memref<!tpu.dma_semaphore, #tpu.memory_space<semaphore_mem>>
        %dma_start3A_729 = arith.constant 0 : i32
        %dma_start3A_730 = arith.constant 0 : i32
        %dma_start3A_731 = tpu.memref_slice %arg11[%run_scoped3A_357, %dma_start3A_729, %dma_start3A_730] : memref<2x128x128xf32, #tpu.memory_space<vmem>> -> memref<1x128x128xf32, #tpu.memory_space<vmem>>
        %dma_start3A_732 = tpu.memref_squeeze %dma_start3A_731 : memref<1x128x128xf32, #tpu.memory_space<vmem>> -> memref<128x128xf32, #tpu.memory_space<vmem>>
        %dma_start3A_733 = arith.constant 0 : i32
        %dma_start3A_734 = tpu.memref_slice %arg9[%run_scoped3A_358, %dma_start3A_733] : memref<8x128xi32, #tpu.memory_space<vmem>> -> memref<1x128xi32, #tpu.memory_space<vmem>>
        %dma_start3A_735 = tpu.memref_squeeze %dma_start3A_734 : memref<1x128xi32, #tpu.memory_space<vmem>> -> memref<128xi32, #tpu.memory_space<vmem>>
        %dma_start3A_736 = arith.constant 0 : i32
        %dma_start3A_737 = arith.constant 0 : i32
        %dma_start3A_738 = tpu.memref_slice %arg12[%dma_start3A_736, %dma_start3A_737] : memref<10240x128xf32, #tpu.memory_space<vmem_shared>> -> memref<10240x128xf32, #tpu.memory_space<vmem_shared>>
        tpu.enqueue_indirect_dma source(%dma_start3A_732 : memref<128x128xf32, #tpu.memory_space<vmem>>) target(%dma_start3A_738 : memref<10240x128xf32, #tpu.memory_space<vmem_shared>>) offsets(%dma_start3A_735 : memref<128xi32, #tpu.memory_space<vmem>>) semaphore(%run_scoped3A_728 : memref<!tpu.dma_semaphore, #tpu.memory_space<semaphore_mem>>) {add = true}
        %dma_wait3A_739 = arith.constant 0 : i32
        %dma_wait3A_740 = arith.constant 0 : i32
        %dma_wait3A_741 = tpu.memref_slice %arg11[%run_scoped3A_357, %dma_wait3A_739, %dma_wait3A_740] : memref<2x128x128xf32, #tpu.memory_space<vmem>> -> memref<1x128x128xf32, #tpu.memory_space<vmem>>
        %dma_wait3A_742 = tpu.memref_squeeze %dma_wait3A_741 : memref<1x128x128xf32, #tpu.memory_space<vmem>> -> memref<128x128xf32, #tpu.memory_space<vmem>>
        %dma_wait3A_743 = arith.constant 0 : i32
        %dma_wait3A_744 = tpu.memref_slice %arg9[%run_scoped3A_358, %dma_wait3A_743] : memref<8x128xi32, #tpu.memory_space<vmem>> -> memref<1x128xi32, #tpu.memory_space<vmem>>
        %dma_wait3A_745 = tpu.memref_squeeze %dma_wait3A_744 : memref<1x128xi32, #tpu.memory_space<vmem>> -> memref<128xi32, #tpu.memory_space<vmem>>
        %dma_wait3A_746 = arith.constant 0 : i32
        %dma_wait3A_747 = arith.constant 0 : i32
        %dma_wait3A_748 = tpu.memref_slice %arg12[%dma_wait3A_746, %dma_wait3A_747] : memref<10240x128xf32, #tpu.memory_space<vmem_shared>> -> memref<10240x128xf32, #tpu.memory_space<vmem_shared>>
        tpu.wait_indirect_dma semaphore(%run_scoped3A_728 : memref<!tpu.dma_semaphore, #tpu.memory_space<semaphore_mem>>) src(%dma_wait3A_742 : memref<128x128xf32, #tpu.memory_space<vmem>>) dst(%dma_wait3A_748 : memref<10240x128xf32, #tpu.memory_space<vmem_shared>>)
        tpu.yield
      }) : () -> ()
      %add3A_359 = arith.constant 1 : i32
      %add3A_360 = arith.addi %add3A_106, %add3A_359 : i32
      %mul3A_361 = arith.constant 8 : i32
      %mul3A_362 = arith.muli %add3A_360, %mul3A_361 : i32
      %dma_wait3A_363 = arith.constant 1 : i32
      %dma_wait3A_364 = arith.constant 0 : i32
      %dma_wait3A_365 = tpu.memref_slice %arg3[%add3A, %mul3A_362, %dma_wait3A_364] : memref<32x80x128xi32, #tpu.memory_space<hbm>> -> memref<1x8x128xi32, #tpu.memory_space<hbm>>
      %dma_wait3A_366 = tpu.memref_squeeze %dma_wait3A_365 : memref<1x8x128xi32, #tpu.memory_space<hbm>> -> memref<8x128xi32, #tpu.memory_space<hbm>>
      %dma_wait3A_367 = tpu.memref_slice %arg14[%dma_wait3A_363] : memref<2x!tpu.dma_semaphore, #tpu.memory_space<semaphore_mem>> -> memref<1x!tpu.dma_semaphore, #tpu.memory_space<semaphore_mem>>
      %dma_wait3A_368 = tpu.memref_squeeze %dma_wait3A_367 : memref<1x!tpu.dma_semaphore, #tpu.memory_space<semaphore_mem>> -> memref<!tpu.dma_semaphore, #tpu.memory_space<semaphore_mem>>
      %dma_wait3A_369 = arith.constant 0 : i32
      %dma_wait3A_370 = tpu.memref_slice %arg3[%add3A, %mul3A_362, %dma_wait3A_369] : memref<32x80x128xi32, #tpu.memory_space<hbm>> -> memref<1x8x128xi32, #tpu.memory_space<hbm>>
      %dma_wait3A_371 = tpu.memref_squeeze %dma_wait3A_370 : memref<1x8x128xi32, #tpu.memory_space<hbm>> -> memref<8x128xi32, #tpu.memory_space<hbm>>
      tpu.wait_dma2 semaphore(%dma_wait3A_368 : memref<!tpu.dma_semaphore, #tpu.memory_space<semaphore_mem>>) src(%dma_wait3A_371 : memref<8x128xi32, #tpu.memory_space<hbm>>) dst(%arg8 : memref<8x128xi32, #tpu.memory_space<vmem>>)
      %dma_wait3A_372 = arith.constant 1 : i32
      %dma_wait3A_373 = arith.constant 0 : i32
      %dma_wait3A_374 = tpu.memref_slice %arg4[%add3A, %mul3A_362, %dma_wait3A_373] : memref<32x80x128xi32, #tpu.memory_space<hbm>> -> memref<1x8x128xi32, #tpu.memory_space<hbm>>
      %dma_wait3A_375 = tpu.memref_squeeze %dma_wait3A_374 : memref<1x8x128xi32, #tpu.memory_space<hbm>> -> memref<8x128xi32, #tpu.memory_space<hbm>>
      %dma_wait3A_376 = tpu.memref_slice %arg14[%dma_wait3A_372] : memref<2x!tpu.dma_semaphore, #tpu.memory_space<semaphore_mem>> -> memref<1x!tpu.dma_semaphore, #tpu.memory_space<semaphore_mem>>
      %dma_wait3A_377 = tpu.memref_squeeze %dma_wait3A_376 : memref<1x!tpu.dma_semaphore, #tpu.memory_space<semaphore_mem>> -> memref<!tpu.dma_semaphore, #tpu.memory_space<semaphore_mem>>
      %dma_wait3A_378 = arith.constant 0 : i32
      %dma_wait3A_379 = tpu.memref_slice %arg4[%add3A, %mul3A_362, %dma_wait3A_378] : memref<32x80x128xi32, #tpu.memory_space<hbm>> -> memref<1x8x128xi32, #tpu.memory_space<hbm>>
      %dma_wait3A_380 = tpu.memref_squeeze %dma_wait3A_379 : memref<1x8x128xi32, #tpu.memory_space<hbm>> -> memref<8x128xi32, #tpu.memory_space<hbm>>
      tpu.wait_dma2 semaphore(%dma_wait3A_377 : memref<!tpu.dma_semaphore, #tpu.memory_space<semaphore_mem>>) src(%dma_wait3A_380 : memref<8x128xi32, #tpu.memory_space<hbm>>) dst(%arg10 : memref<8x128xi32, #tpu.memory_space<vmem>>)
      %dma_start3A_381 = arith.constant 0 : i32
      %dma_start3A_382 = arith.constant 0 : i32
      %dma_start3A_383 = arith.constant 0 : i32
      %dma_start3A_384 = arith.constant 0 : i32
      %dma_start3A_385 = arith.constant 0 : i32
      %dma_start3A_386 = tpu.memref_slice %arg11[%dma_start3A_382, %dma_start3A_384, %dma_start3A_385] : memref<2x128x128xf32, #tpu.memory_space<vmem>> -> memref<1x128x128xf32, #tpu.memory_space<vmem>>
      %dma_start3A_387 = tpu.memref_squeeze %dma_start3A_386 : memref<1x128x128xf32, #tpu.memory_space<vmem>> -> memref<128x128xf32, #tpu.memory_space<vmem>>
      %dma_start3A_388 = arith.constant 0 : i32
      %dma_start3A_389 = tpu.memref_slice %arg8[%dma_start3A_381, %dma_start3A_388] : memref<8x128xi32, #tpu.memory_space<vmem>> -> memref<1x128xi32, #tpu.memory_space<vmem>>
      %dma_start3A_390 = tpu.memref_squeeze %dma_start3A_389 : memref<1x128xi32, #tpu.memory_space<vmem>> -> memref<128xi32, #tpu.memory_space<vmem>>
      %dma_start3A_391 = arith.constant 0 : i32
      %dma_start3A_392 = arith.constant 0 : i32
      %dma_start3A_393 = tpu.memref_slice %arg2[%dma_start3A_391, %dma_start3A_392] : memref<80000x128xf32, #tpu.memory_space<hbm>> -> memref<80000x128xf32, #tpu.memory_space<hbm>>
      %dma_start3A_394 = tpu.memref_slice %arg13[%dma_start3A_383] : memref<2x!tpu.dma_semaphore, #tpu.memory_space<semaphore_mem>> -> memref<1x!tpu.dma_semaphore, #tpu.memory_space<semaphore_mem>>
      %dma_start3A_395 = tpu.memref_squeeze %dma_start3A_394 : memref<1x!tpu.dma_semaphore, #tpu.memory_space<semaphore_mem>> -> memref<!tpu.dma_semaphore, #tpu.memory_space<semaphore_mem>>
      tpu.enqueue_indirect_dma source(%dma_start3A_393 : memref<80000x128xf32, #tpu.memory_space<hbm>>) target(%dma_start3A_387 : memref<128x128xf32, #tpu.memory_space<vmem>>) offsets(%dma_start3A_390 : memref<128xi32, #tpu.memory_space<vmem>>) semaphore(%dma_start3A_395 : memref<!tpu.dma_semaphore, #tpu.memory_space<semaphore_mem>>)
      %add3A_396 = arith.constant 0 : i32
      %add3A_397 = arith.addi %add3A_106, %add3A_396 : i32
      %mul3A_398 = arith.constant 8 : i32
      %mul3A_399 = arith.muli %add3A_397, %mul3A_398 : i32
      %add3A_400 = arith.constant 7 : i32
      %add3A_401 = arith.addi %mul3A_399, %add3A_400 : i32
      %dma_wait3A_402 = arith.constant 7 : i32
      %dma_wait3A_403 = arith.constant 1 : i32
      %dma_wait3A_404 = arith.constant 1 : i32
      %dma_wait3A_405 = arith.constant 0 : i32
      %dma_wait3A_406 = arith.constant 0 : i32
      %dma_wait3A_407 = tpu.memref_slice %arg11[%dma_wait3A_403, %dma_wait3A_405, %dma_wait3A_406] : memref<2x128x128xf32, #tpu.memory_space<vmem>> -> memref<1x128x128xf32, #tpu.memory_space<vmem>>
      %dma_wait3A_408 = tpu.memref_squeeze %dma_wait3A_407 : memref<1x128x128xf32, #tpu.memory_space<vmem>> -> memref<128x128xf32, #tpu.memory_space<vmem>>
      %dma_wait3A_409 = arith.constant 0 : i32
      %dma_wait3A_410 = tpu.memref_slice %arg7[%dma_wait3A_402, %dma_wait3A_409] : memref<8x128xi32, #tpu.memory_space<vmem>> -> memref<1x128xi32, #tpu.memory_space<vmem>>
      %dma_wait3A_411 = tpu.memref_squeeze %dma_wait3A_410 : memref<1x128xi32, #tpu.memory_space<vmem>> -> memref<128xi32, #tpu.memory_space<vmem>>
      %dma_wait3A_412 = arith.constant 0 : i32
      %dma_wait3A_413 = arith.constant 0 : i32
      %dma_wait3A_414 = tpu.memref_slice %arg2[%dma_wait3A_412, %dma_wait3A_413] : memref<80000x128xf32, #tpu.memory_space<hbm>> -> memref<80000x128xf32, #tpu.memory_space<hbm>>
      %dma_wait3A_415 = tpu.memref_slice %arg13[%dma_wait3A_404] : memref<2x!tpu.dma_semaphore, #tpu.memory_space<semaphore_mem>> -> memref<1x!tpu.dma_semaphore, #tpu.memory_space<semaphore_mem>>
      %dma_wait3A_416 = tpu.memref_squeeze %dma_wait3A_415 : memref<1x!tpu.dma_semaphore, #tpu.memory_space<semaphore_mem>> -> memref<!tpu.dma_semaphore, #tpu.memory_space<semaphore_mem>>
      tpu.wait_indirect_dma semaphore(%dma_wait3A_416 : memref<!tpu.dma_semaphore, #tpu.memory_space<semaphore_mem>>) src(%dma_wait3A_414 : memref<80000x128xf32, #tpu.memory_space<hbm>>) dst(%dma_wait3A_408 : memref<128x128xf32, #tpu.memory_space<vmem>>)
      %run_scoped3A_417 = arith.constant 1 : i32
      %run_scoped3A_418 = arith.constant 7 : i32
      "tpu.region"() ({
        %run_scoped3A_728 = tpu.sem_alloc : memref<!tpu.dma_semaphore, #tpu.memory_space<semaphore_mem>>
        %dma_start3A_729 = arith.constant 0 : i32
        %dma_start3A_730 = arith.constant 0 : i32
        %dma_start3A_731 = tpu.memref_slice %arg11[%run_scoped3A_417, %dma_start3A_729, %dma_start3A_730] : memref<2x128x128xf32, #tpu.memory_space<vmem>> -> memref<1x128x128xf32, #tpu.memory_space<vmem>>
        %dma_start3A_732 = tpu.memref_squeeze %dma_start3A_731 : memref<1x128x128xf32, #tpu.memory_space<vmem>> -> memref<128x128xf32, #tpu.memory_space<vmem>>
        %dma_start3A_733 = arith.constant 0 : i32
        %dma_start3A_734 = tpu.memref_slice %arg9[%run_scoped3A_418, %dma_start3A_733] : memref<8x128xi32, #tpu.memory_space<vmem>> -> memref<1x128xi32, #tpu.memory_space<vmem>>
        %dma_start3A_735 = tpu.memref_squeeze %dma_start3A_734 : memref<1x128xi32, #tpu.memory_space<vmem>> -> memref<128xi32, #tpu.memory_space<vmem>>
        %dma_start3A_736 = arith.constant 0 : i32
        %dma_start3A_737 = arith.constant 0 : i32
        %dma_start3A_738 = tpu.memref_slice %arg12[%dma_start3A_736, %dma_start3A_737] : memref<10240x128xf32, #tpu.memory_space<vmem_shared>> -> memref<10240x128xf32, #tpu.memory_space<vmem_shared>>
        tpu.enqueue_indirect_dma source(%dma_start3A_732 : memref<128x128xf32, #tpu.memory_space<vmem>>) target(%dma_start3A_738 : memref<10240x128xf32, #tpu.memory_space<vmem_shared>>) offsets(%dma_start3A_735 : memref<128xi32, #tpu.memory_space<vmem>>) semaphore(%run_scoped3A_728 : memref<!tpu.dma_semaphore, #tpu.memory_space<semaphore_mem>>) {add = true}
        %dma_wait3A_739 = arith.constant 0 : i32
        %dma_wait3A_740 = arith.constant 0 : i32
        %dma_wait3A_741 = tpu.memref_slice %arg11[%run_scoped3A_417, %dma_wait3A_739, %dma_wait3A_740] : memref<2x128x128xf32, #tpu.memory_space<vmem>> -> memref<1x128x128xf32, #tpu.memory_space<vmem>>
        %dma_wait3A_742 = tpu.memref_squeeze %dma_wait3A_741 : memref<1x128x128xf32, #tpu.memory_space<vmem>> -> memref<128x128xf32, #tpu.memory_space<vmem>>
        %dma_wait3A_743 = arith.constant 0 : i32
        %dma_wait3A_744 = tpu.memref_slice %arg9[%run_scoped3A_418, %dma_wait3A_743] : memref<8x128xi32, #tpu.memory_space<vmem>> -> memref<1x128xi32, #tpu.memory_space<vmem>>
        %dma_wait3A_745 = tpu.memref_squeeze %dma_wait3A_744 : memref<1x128xi32, #tpu.memory_space<vmem>> -> memref<128xi32, #tpu.memory_space<vmem>>
        %dma_wait3A_746 = arith.constant 0 : i32
        %dma_wait3A_747 = arith.constant 0 : i32
        %dma_wait3A_748 = tpu.memref_slice %arg12[%dma_wait3A_746, %dma_wait3A_747] : memref<10240x128xf32, #tpu.memory_space<vmem_shared>> -> memref<10240x128xf32, #tpu.memory_space<vmem_shared>>
        tpu.wait_indirect_dma semaphore(%run_scoped3A_728 : memref<!tpu.dma_semaphore, #tpu.memory_space<semaphore_mem>>) src(%dma_wait3A_742 : memref<128x128xf32, #tpu.memory_space<vmem>>) dst(%dma_wait3A_748 : memref<10240x128xf32, #tpu.memory_space<vmem_shared>>)
        tpu.yield
      }) : () -> ()
      %dma_start3A_419 = arith.constant 1 : i32
      %dma_start3A_420 = arith.constant 1 : i32
      %dma_start3A_421 = arith.constant 1 : i32
      %dma_start3A_422 = arith.constant 0 : i32
      %dma_start3A_423 = arith.constant 0 : i32
      %dma_start3A_424 = tpu.memref_slice %arg11[%dma_start3A_420, %dma_start3A_422, %dma_start3A_423] : memref<2x128x128xf32, #tpu.memory_space<vmem>> -> memref<1x128x128xf32, #tpu.memory_space<vmem>>
      %dma_start3A_425 = tpu.memref_squeeze %dma_start3A_424 : memref<1x128x128xf32, #tpu.memory_space<vmem>> -> memref<128x128xf32, #tpu.memory_space<vmem>>
      %dma_start3A_426 = arith.constant 0 : i32
      %dma_start3A_427 = tpu.memref_slice %arg8[%dma_start3A_419, %dma_start3A_426] : memref<8x128xi32, #tpu.memory_space<vmem>> -> memref<1x128xi32, #tpu.memory_space<vmem>>
      %dma_start3A_428 = tpu.memref_squeeze %dma_start3A_427 : memref<1x128xi32, #tpu.memory_space<vmem>> -> memref<128xi32, #tpu.memory_space<vmem>>
      %dma_start3A_429 = arith.constant 0 : i32
      %dma_start3A_430 = arith.constant 0 : i32
      %dma_start3A_431 = tpu.memref_slice %arg2[%dma_start3A_429, %dma_start3A_430] : memref<80000x128xf32, #tpu.memory_space<hbm>> -> memref<80000x128xf32, #tpu.memory_space<hbm>>
      %dma_start3A_432 = tpu.memref_slice %arg13[%dma_start3A_421] : memref<2x!tpu.dma_semaphore, #tpu.memory_space<semaphore_mem>> -> memref<1x!tpu.dma_semaphore, #tpu.memory_space<semaphore_mem>>
      %dma_start3A_433 = tpu.memref_squeeze %dma_start3A_432 : memref<1x!tpu.dma_semaphore, #tpu.memory_space<semaphore_mem>> -> memref<!tpu.dma_semaphore, #tpu.memory_space<semaphore_mem>>
      tpu.enqueue_indirect_dma source(%dma_start3A_431 : memref<80000x128xf32, #tpu.memory_space<hbm>>) target(%dma_start3A_425 : memref<128x128xf32, #tpu.memory_space<vmem>>) offsets(%dma_start3A_428 : memref<128xi32, #tpu.memory_space<vmem>>) semaphore(%dma_start3A_433 : memref<!tpu.dma_semaphore, #tpu.memory_space<semaphore_mem>>)
      %add3A_434 = arith.constant 1 : i32
      %add3A_435 = arith.addi %add3A_106, %add3A_434 : i32
      %mul3A_436 = arith.constant 8 : i32
      %mul3A_437 = arith.muli %add3A_435, %mul3A_436 : i32
      %add3A_438 = arith.constant 0 : i32
      %add3A_439 = arith.addi %mul3A_437, %add3A_438 : i32
      %add3A_440 = arith.constant 2 : i32
      %add3A_441 = arith.addi %add3A_106, %add3A_440 : i32
      %lt3A = arith.constant 10 : i32
      %lt3A_442 = arith.cmpi slt, %add3A_441, %lt3A : i32
      %convert_element_type3A_443 = arith.extui %lt3A_442 : i1 to i32
      %cond3A_444 = arith.constant 0 : i32
      %cond3A_445 = arith.cmpi ne, %convert_element_type3A_443, %cond3A_444 : i32
      scf.if %cond3A_445 {
        %add3A_728 = arith.constant 2 : i32
        %add3A_729 = arith.addi %add3A_106, %add3A_728 : i32
        %mul3A_730 = arith.constant 8 : i32
        %mul3A_731 = arith.muli %add3A_729, %mul3A_730 : i32
        %dma_start3A_732 = arith.constant 0 : i32
        %dma_start3A_733 = arith.constant 0 : i32
        %dma_start3A_734 = tpu.memref_slice %arg3[%add3A, %mul3A_731, %dma_start3A_733] : memref<32x80x128xi32, #tpu.memory_space<hbm>> -> memref<1x8x128xi32, #tpu.memory_space<hbm>>
        %dma_start3A_735 = tpu.memref_squeeze %dma_start3A_734 : memref<1x8x128xi32, #tpu.memory_space<hbm>> -> memref<8x128xi32, #tpu.memory_space<hbm>>
        %dma_start3A_736 = tpu.memref_slice %arg14[%dma_start3A_732] : memref<2x!tpu.dma_semaphore, #tpu.memory_space<semaphore_mem>> -> memref<1x!tpu.dma_semaphore, #tpu.memory_space<semaphore_mem>>
        %dma_start3A_737 = tpu.memref_squeeze %dma_start3A_736 : memref<1x!tpu.dma_semaphore, #tpu.memory_space<semaphore_mem>> -> memref<!tpu.dma_semaphore, #tpu.memory_space<semaphore_mem>>
        %dma_start3A_738 = arith.constant 0 : i32
        %dma_start3A_739 = tpu.memref_slice %arg3[%add3A, %mul3A_731, %dma_start3A_738] : memref<32x80x128xi32, #tpu.memory_space<hbm>> -> memref<1x8x128xi32, #tpu.memory_space<hbm>>
        %dma_start3A_740 = tpu.memref_squeeze %dma_start3A_739 : memref<1x8x128xi32, #tpu.memory_space<hbm>> -> memref<8x128xi32, #tpu.memory_space<hbm>>
        tpu.enqueue_dma source(%dma_start3A_740 : memref<8x128xi32, #tpu.memory_space<hbm>>) target(%arg7 : memref<8x128xi32, #tpu.memory_space<vmem>>) target_semaphore(%dma_start3A_737 : memref<!tpu.dma_semaphore, #tpu.memory_space<semaphore_mem>>)
        %dma_start3A_741 = arith.constant 0 : i32
        %dma_start3A_742 = arith.constant 0 : i32
        %dma_start3A_743 = tpu.memref_slice %arg4[%add3A, %mul3A_731, %dma_start3A_742] : memref<32x80x128xi32, #tpu.memory_space<hbm>> -> memref<1x8x128xi32, #tpu.memory_space<hbm>>
        %dma_start3A_744 = tpu.memref_squeeze %dma_start3A_743 : memref<1x8x128xi32, #tpu.memory_space<hbm>> -> memref<8x128xi32, #tpu.memory_space<hbm>>
        %dma_start3A_745 = tpu.memref_slice %arg14[%dma_start3A_741] : memref<2x!tpu.dma_semaphore, #tpu.memory_space<semaphore_mem>> -> memref<1x!tpu.dma_semaphore, #tpu.memory_space<semaphore_mem>>
        %dma_start3A_746 = tpu.memref_squeeze %dma_start3A_745 : memref<1x!tpu.dma_semaphore, #tpu.memory_space<semaphore_mem>> -> memref<!tpu.dma_semaphore, #tpu.memory_space<semaphore_mem>>
        %dma_start3A_747 = arith.constant 0 : i32
        %dma_start3A_748 = tpu.memref_slice %arg4[%add3A, %mul3A_731, %dma_start3A_747] : memref<32x80x128xi32, #tpu.memory_space<hbm>> -> memref<1x8x128xi32, #tpu.memory_space<hbm>>
        %dma_start3A_749 = tpu.memref_squeeze %dma_start3A_748 : memref<1x8x128xi32, #tpu.memory_space<hbm>> -> memref<8x128xi32, #tpu.memory_space<hbm>>
        tpu.enqueue_dma source(%dma_start3A_749 : memref<8x128xi32, #tpu.memory_space<hbm>>) target(%arg9 : memref<8x128xi32, #tpu.memory_space<vmem>>) target_semaphore(%dma_start3A_746 : memref<!tpu.dma_semaphore, #tpu.memory_space<semaphore_mem>>)
      } else {
      }
      %dma_wait3A_446 = arith.constant 0 : i32
      %dma_wait3A_447 = arith.constant 0 : i32
      %dma_wait3A_448 = arith.constant 0 : i32
      %dma_wait3A_449 = arith.constant 0 : i32
      %dma_wait3A_450 = arith.constant 0 : i32
      %dma_wait3A_451 = tpu.memref_slice %arg11[%dma_wait3A_447, %dma_wait3A_449, %dma_wait3A_450] : memref<2x128x128xf32, #tpu.memory_space<vmem>> -> memref<1x128x128xf32, #tpu.memory_space<vmem>>
      %dma_wait3A_452 = tpu.memref_squeeze %dma_wait3A_451 : memref<1x128x128xf32, #tpu.memory_space<vmem>> -> memref<128x128xf32, #tpu.memory_space<vmem>>
      %dma_wait3A_453 = arith.constant 0 : i32
      %dma_wait3A_454 = tpu.memref_slice %arg8[%dma_wait3A_446, %dma_wait3A_453] : memref<8x128xi32, #tpu.memory_space<vmem>> -> memref<1x128xi32, #tpu.memory_space<vmem>>
      %dma_wait3A_455 = tpu.memref_squeeze %dma_wait3A_454 : memref<1x128xi32, #tpu.memory_space<vmem>> -> memref<128xi32, #tpu.memory_space<vmem>>
      %dma_wait3A_456 = arith.constant 0 : i32
      %dma_wait3A_457 = arith.constant 0 : i32
      %dma_wait3A_458 = tpu.memref_slice %arg2[%dma_wait3A_456, %dma_wait3A_457] : memref<80000x128xf32, #tpu.memory_space<hbm>> -> memref<80000x128xf32, #tpu.memory_space<hbm>>
      %dma_wait3A_459 = tpu.memref_slice %arg13[%dma_wait3A_448] : memref<2x!tpu.dma_semaphore, #tpu.memory_space<semaphore_mem>> -> memref<1x!tpu.dma_semaphore, #tpu.memory_space<semaphore_mem>>
      %dma_wait3A_460 = tpu.memref_squeeze %dma_wait3A_459 : memref<1x!tpu.dma_semaphore, #tpu.memory_space<semaphore_mem>> -> memref<!tpu.dma_semaphore, #tpu.memory_space<semaphore_mem>>
      tpu.wait_indirect_dma semaphore(%dma_wait3A_460 : memref<!tpu.dma_semaphore, #tpu.memory_space<semaphore_mem>>) src(%dma_wait3A_458 : memref<80000x128xf32, #tpu.memory_space<hbm>>) dst(%dma_wait3A_452 : memref<128x128xf32, #tpu.memory_space<vmem>>)
      %run_scoped3A_461 = arith.constant 0 : i32
      %run_scoped3A_462 = arith.constant 0 : i32
      "tpu.region"() ({
        %run_scoped3A_728 = tpu.sem_alloc : memref<!tpu.dma_semaphore, #tpu.memory_space<semaphore_mem>>
        %dma_start3A_729 = arith.constant 0 : i32
        %dma_start3A_730 = arith.constant 0 : i32
        %dma_start3A_731 = tpu.memref_slice %arg11[%run_scoped3A_461, %dma_start3A_729, %dma_start3A_730] : memref<2x128x128xf32, #tpu.memory_space<vmem>> -> memref<1x128x128xf32, #tpu.memory_space<vmem>>
        %dma_start3A_732 = tpu.memref_squeeze %dma_start3A_731 : memref<1x128x128xf32, #tpu.memory_space<vmem>> -> memref<128x128xf32, #tpu.memory_space<vmem>>
        %dma_start3A_733 = arith.constant 0 : i32
        %dma_start3A_734 = tpu.memref_slice %arg10[%run_scoped3A_462, %dma_start3A_733] : memref<8x128xi32, #tpu.memory_space<vmem>> -> memref<1x128xi32, #tpu.memory_space<vmem>>
        %dma_start3A_735 = tpu.memref_squeeze %dma_start3A_734 : memref<1x128xi32, #tpu.memory_space<vmem>> -> memref<128xi32, #tpu.memory_space<vmem>>
        %dma_start3A_736 = arith.constant 0 : i32
        %dma_start3A_737 = arith.constant 0 : i32
        %dma_start3A_738 = tpu.memref_slice %arg12[%dma_start3A_736, %dma_start3A_737] : memref<10240x128xf32, #tpu.memory_space<vmem_shared>> -> memref<10240x128xf32, #tpu.memory_space<vmem_shared>>
        tpu.enqueue_indirect_dma source(%dma_start3A_732 : memref<128x128xf32, #tpu.memory_space<vmem>>) target(%dma_start3A_738 : memref<10240x128xf32, #tpu.memory_space<vmem_shared>>) offsets(%dma_start3A_735 : memref<128xi32, #tpu.memory_space<vmem>>) semaphore(%run_scoped3A_728 : memref<!tpu.dma_semaphore, #tpu.memory_space<semaphore_mem>>) {add = true}
        %dma_wait3A_739 = arith.constant 0 : i32
        %dma_wait3A_740 = arith.constant 0 : i32
        %dma_wait3A_741 = tpu.memref_slice %arg11[%run_scoped3A_461, %dma_wait3A_739, %dma_wait3A_740] : memref<2x128x128xf32, #tpu.memory_space<vmem>> -> memref<1x128x128xf32, #tpu.memory_space<vmem>>
        %dma_wait3A_742 = tpu.memref_squeeze %dma_wait3A_741 : memref<1x128x128xf32, #tpu.memory_space<vmem>> -> memref<128x128xf32, #tpu.memory_space<vmem>>
        %dma_wait3A_743 = arith.constant 0 : i32
        %dma_wait3A_744 = tpu.memref_slice %arg10[%run_scoped3A_462, %dma_wait3A_743] : memref<8x128xi32, #tpu.memory_space<vmem>> -> memref<1x128xi32, #tpu.memory_space<vmem>>
        %dma_wait3A_745 = tpu.memref_squeeze %dma_wait3A_744 : memref<1x128xi32, #tpu.memory_space<vmem>> -> memref<128xi32, #tpu.memory_space<vmem>>
        %dma_wait3A_746 = arith.constant 0 : i32
        %dma_wait3A_747 = arith.constant 0 : i32
        %dma_wait3A_748 = tpu.memref_slice %arg12[%dma_wait3A_746, %dma_wait3A_747] : memref<10240x128xf32, #tpu.memory_space<vmem_shared>> -> memref<10240x128xf32, #tpu.memory_space<vmem_shared>>
        tpu.wait_indirect_dma semaphore(%run_scoped3A_728 : memref<!tpu.dma_semaphore, #tpu.memory_space<semaphore_mem>>) src(%dma_wait3A_742 : memref<128x128xf32, #tpu.memory_space<vmem>>) dst(%dma_wait3A_748 : memref<10240x128xf32, #tpu.memory_space<vmem_shared>>)
        tpu.yield
      }) : () -> ()
      %dma_start3A_463 = arith.constant 2 : i32
      %dma_start3A_464 = arith.constant 0 : i32
      %dma_start3A_465 = arith.constant 0 : i32
      %dma_start3A_466 = arith.constant 0 : i32
      %dma_start3A_467 = arith.constant 0 : i32
      %dma_start3A_468 = tpu.memref_slice %arg11[%dma_start3A_464, %dma_start3A_466, %dma_start3A_467] : memref<2x128x128xf32, #tpu.memory_space<vmem>> -> memref<1x128x128xf32, #tpu.memory_space<vmem>>
      %dma_start3A_469 = tpu.memref_squeeze %dma_start3A_468 : memref<1x128x128xf32, #tpu.memory_space<vmem>> -> memref<128x128xf32, #tpu.memory_space<vmem>>
      %dma_start3A_470 = arith.constant 0 : i32
      %dma_start3A_471 = tpu.memref_slice %arg8[%dma_start3A_463, %dma_start3A_470] : memref<8x128xi32, #tpu.memory_space<vmem>> -> memref<1x128xi32, #tpu.memory_space<vmem>>
      %dma_start3A_472 = tpu.memref_squeeze %dma_start3A_471 : memref<1x128xi32, #tpu.memory_space<vmem>> -> memref<128xi32, #tpu.memory_space<vmem>>
      %dma_start3A_473 = arith.constant 0 : i32
      %dma_start3A_474 = arith.constant 0 : i32
      %dma_start3A_475 = tpu.memref_slice %arg2[%dma_start3A_473, %dma_start3A_474] : memref<80000x128xf32, #tpu.memory_space<hbm>> -> memref<80000x128xf32, #tpu.memory_space<hbm>>
      %dma_start3A_476 = tpu.memref_slice %arg13[%dma_start3A_465] : memref<2x!tpu.dma_semaphore, #tpu.memory_space<semaphore_mem>> -> memref<1x!tpu.dma_semaphore, #tpu.memory_space<semaphore_mem>>
      %dma_start3A_477 = tpu.memref_squeeze %dma_start3A_476 : memref<1x!tpu.dma_semaphore, #tpu.memory_space<semaphore_mem>> -> memref<!tpu.dma_semaphore, #tpu.memory_space<semaphore_mem>>
      tpu.enqueue_indirect_dma source(%dma_start3A_475 : memref<80000x128xf32, #tpu.memory_space<hbm>>) target(%dma_start3A_469 : memref<128x128xf32, #tpu.memory_space<vmem>>) offsets(%dma_start3A_472 : memref<128xi32, #tpu.memory_space<vmem>>) semaphore(%dma_start3A_477 : memref<!tpu.dma_semaphore, #tpu.memory_space<semaphore_mem>>)
      %add3A_478 = arith.constant 1 : i32
      %add3A_479 = arith.addi %add3A_106, %add3A_478 : i32
      %mul3A_480 = arith.constant 8 : i32
      %mul3A_481 = arith.muli %add3A_479, %mul3A_480 : i32
      %add3A_482 = arith.constant 1 : i32
      %add3A_483 = arith.addi %mul3A_481, %add3A_482 : i32
      %dma_wait3A_484 = arith.constant 1 : i32
      %dma_wait3A_485 = arith.constant 1 : i32
      %dma_wait3A_486 = arith.constant 1 : i32
      %dma_wait3A_487 = arith.constant 0 : i32
      %dma_wait3A_488 = arith.constant 0 : i32
      %dma_wait3A_489 = tpu.memref_slice %arg11[%dma_wait3A_485, %dma_wait3A_487, %dma_wait3A_488] : memref<2x128x128xf32, #tpu.memory_space<vmem>> -> memref<1x128x128xf32, #tpu.memory_space<vmem>>
      %dma_wait3A_490 = tpu.memref_squeeze %dma_wait3A_489 : memref<1x128x128xf32, #tpu.memory_space<vmem>> -> memref<128x128xf32, #tpu.memory_space<vmem>>
      %dma_wait3A_491 = arith.constant 0 : i32
      %dma_wait3A_492 = tpu.memref_slice %arg8[%dma_wait3A_484, %dma_wait3A_491] : memref<8x128xi32, #tpu.memory_space<vmem>> -> memref<1x128xi32, #tpu.memory_space<vmem>>
      %dma_wait3A_493 = tpu.memref_squeeze %dma_wait3A_492 : memref<1x128xi32, #tpu.memory_space<vmem>> -> memref<128xi32, #tpu.memory_space<vmem>>
      %dma_wait3A_494 = arith.constant 0 : i32
      %dma_wait3A_495 = arith.constant 0 : i32
      %dma_wait3A_496 = tpu.memref_slice %arg2[%dma_wait3A_494, %dma_wait3A_495] : memref<80000x128xf32, #tpu.memory_space<hbm>> -> memref<80000x128xf32, #tpu.memory_space<hbm>>
      %dma_wait3A_497 = tpu.memref_slice %arg13[%dma_wait3A_486] : memref<2x!tpu.dma_semaphore, #tpu.memory_space<semaphore_mem>> -> memref<1x!tpu.dma_semaphore, #tpu.memory_space<semaphore_mem>>
      %dma_wait3A_498 = tpu.memref_squeeze %dma_wait3A_497 : memref<1x!tpu.dma_semaphore, #tpu.memory_space<semaphore_mem>> -> memref<!tpu.dma_semaphore, #tpu.memory_space<semaphore_mem>>
      tpu.wait_indirect_dma semaphore(%dma_wait3A_498 : memref<!tpu.dma_semaphore, #tpu.memory_space<semaphore_mem>>) src(%dma_wait3A_496 : memref<80000x128xf32, #tpu.memory_space<hbm>>) dst(%dma_wait3A_490 : memref<128x128xf32, #tpu.memory_space<vmem>>)
      %run_scoped3A_499 = arith.constant 1 : i32
      %run_scoped3A_500 = arith.constant 1 : i32
      "tpu.region"() ({
        %run_scoped3A_728 = tpu.sem_alloc : memref<!tpu.dma_semaphore, #tpu.memory_space<semaphore_mem>>
        %dma_start3A_729 = arith.constant 0 : i32
        %dma_start3A_730 = arith.constant 0 : i32
        %dma_start3A_731 = tpu.memref_slice %arg11[%run_scoped3A_499, %dma_start3A_729, %dma_start3A_730] : memref<2x128x128xf32, #tpu.memory_space<vmem>> -> memref<1x128x128xf32, #tpu.memory_space<vmem>>
        %dma_start3A_732 = tpu.memref_squeeze %dma_start3A_731 : memref<1x128x128xf32, #tpu.memory_space<vmem>> -> memref<128x128xf32, #tpu.memory_space<vmem>>
        %dma_start3A_733 = arith.constant 0 : i32
        %dma_start3A_734 = tpu.memref_slice %arg10[%run_scoped3A_500, %dma_start3A_733] : memref<8x128xi32, #tpu.memory_space<vmem>> -> memref<1x128xi32, #tpu.memory_space<vmem>>
        %dma_start3A_735 = tpu.memref_squeeze %dma_start3A_734 : memref<1x128xi32, #tpu.memory_space<vmem>> -> memref<128xi32, #tpu.memory_space<vmem>>
        %dma_start3A_736 = arith.constant 0 : i32
        %dma_start3A_737 = arith.constant 0 : i32
        %dma_start3A_738 = tpu.memref_slice %arg12[%dma_start3A_736, %dma_start3A_737] : memref<10240x128xf32, #tpu.memory_space<vmem_shared>> -> memref<10240x128xf32, #tpu.memory_space<vmem_shared>>
        tpu.enqueue_indirect_dma source(%dma_start3A_732 : memref<128x128xf32, #tpu.memory_space<vmem>>) target(%dma_start3A_738 : memref<10240x128xf32, #tpu.memory_space<vmem_shared>>) offsets(%dma_start3A_735 : memref<128xi32, #tpu.memory_space<vmem>>) semaphore(%run_scoped3A_728 : memref<!tpu.dma_semaphore, #tpu.memory_space<semaphore_mem>>) {add = true}
        %dma_wait3A_739 = arith.constant 0 : i32
        %dma_wait3A_740 = arith.constant 0 : i32
        %dma_wait3A_741 = tpu.memref_slice %arg11[%run_scoped3A_499, %dma_wait3A_739, %dma_wait3A_740] : memref<2x128x128xf32, #tpu.memory_space<vmem>> -> memref<1x128x128xf32, #tpu.memory_space<vmem>>
        %dma_wait3A_742 = tpu.memref_squeeze %dma_wait3A_741 : memref<1x128x128xf32, #tpu.memory_space<vmem>> -> memref<128x128xf32, #tpu.memory_space<vmem>>
        %dma_wait3A_743 = arith.constant 0 : i32
        %dma_wait3A_744 = tpu.memref_slice %arg10[%run_scoped3A_500, %dma_wait3A_743] : memref<8x128xi32, #tpu.memory_space<vmem>> -> memref<1x128xi32, #tpu.memory_space<vmem>>
        %dma_wait3A_745 = tpu.memref_squeeze %dma_wait3A_744 : memref<1x128xi32, #tpu.memory_space<vmem>> -> memref<128xi32, #tpu.memory_space<vmem>>
        %dma_wait3A_746 = arith.constant 0 : i32
        %dma_wait3A_747 = arith.constant 0 : i32
        %dma_wait3A_748 = tpu.memref_slice %arg12[%dma_wait3A_746, %dma_wait3A_747] : memref<10240x128xf32, #tpu.memory_space<vmem_shared>> -> memref<10240x128xf32, #tpu.memory_space<vmem_shared>>
        tpu.wait_indirect_dma semaphore(%run_scoped3A_728 : memref<!tpu.dma_semaphore, #tpu.memory_space<semaphore_mem>>) src(%dma_wait3A_742 : memref<128x128xf32, #tpu.memory_space<vmem>>) dst(%dma_wait3A_748 : memref<10240x128xf32, #tpu.memory_space<vmem_shared>>)
        tpu.yield
      }) : () -> ()
      %dma_start3A_501 = arith.constant 3 : i32
      %dma_start3A_502 = arith.constant 1 : i32
      %dma_start3A_503 = arith.constant 1 : i32
      %dma_start3A_504 = arith.constant 0 : i32
      %dma_start3A_505 = arith.constant 0 : i32
      %dma_start3A_506 = tpu.memref_slice %arg11[%dma_start3A_502, %dma_start3A_504, %dma_start3A_505] : memref<2x128x128xf32, #tpu.memory_space<vmem>> -> memref<1x128x128xf32, #tpu.memory_space<vmem>>
      %dma_start3A_507 = tpu.memref_squeeze %dma_start3A_506 : memref<1x128x128xf32, #tpu.memory_space<vmem>> -> memref<128x128xf32, #tpu.memory_space<vmem>>
      %dma_start3A_508 = arith.constant 0 : i32
      %dma_start3A_509 = tpu.memref_slice %arg8[%dma_start3A_501, %dma_start3A_508] : memref<8x128xi32, #tpu.memory_space<vmem>> -> memref<1x128xi32, #tpu.memory_space<vmem>>
      %dma_start3A_510 = tpu.memref_squeeze %dma_start3A_509 : memref<1x128xi32, #tpu.memory_space<vmem>> -> memref<128xi32, #tpu.memory_space<vmem>>
      %dma_start3A_511 = arith.constant 0 : i32
      %dma_start3A_512 = arith.constant 0 : i32
      %dma_start3A_513 = tpu.memref_slice %arg2[%dma_start3A_511, %dma_start3A_512] : memref<80000x128xf32, #tpu.memory_space<hbm>> -> memref<80000x128xf32, #tpu.memory_space<hbm>>
      %dma_start3A_514 = tpu.memref_slice %arg13[%dma_start3A_503] : memref<2x!tpu.dma_semaphore, #tpu.memory_space<semaphore_mem>> -> memref<1x!tpu.dma_semaphore, #tpu.memory_space<semaphore_mem>>
      %dma_start3A_515 = tpu.memref_squeeze %dma_start3A_514 : memref<1x!tpu.dma_semaphore, #tpu.memory_space<semaphore_mem>> -> memref<!tpu.dma_semaphore, #tpu.memory_space<semaphore_mem>>
      tpu.enqueue_indirect_dma source(%dma_start3A_513 : memref<80000x128xf32, #tpu.memory_space<hbm>>) target(%dma_start3A_507 : memref<128x128xf32, #tpu.memory_space<vmem>>) offsets(%dma_start3A_510 : memref<128xi32, #tpu.memory_space<vmem>>) semaphore(%dma_start3A_515 : memref<!tpu.dma_semaphore, #tpu.memory_space<semaphore_mem>>)
      %add3A_516 = arith.constant 1 : i32
      %add3A_517 = arith.addi %add3A_106, %add3A_516 : i32
      %mul3A_518 = arith.constant 8 : i32
      %mul3A_519 = arith.muli %add3A_517, %mul3A_518 : i32
      %add3A_520 = arith.constant 2 : i32
      %add3A_521 = arith.addi %mul3A_519, %add3A_520 : i32
      %dma_wait3A_522 = arith.constant 2 : i32
      %dma_wait3A_523 = arith.constant 0 : i32
      %dma_wait3A_524 = arith.constant 0 : i32
      %dma_wait3A_525 = arith.constant 0 : i32
      %dma_wait3A_526 = arith.constant 0 : i32
      %dma_wait3A_527 = tpu.memref_slice %arg11[%dma_wait3A_523, %dma_wait3A_525, %dma_wait3A_526] : memref<2x128x128xf32, #tpu.memory_space<vmem>> -> memref<1x128x128xf32, #tpu.memory_space<vmem>>
      %dma_wait3A_528 = tpu.memref_squeeze %dma_wait3A_527 : memref<1x128x128xf32, #tpu.memory_space<vmem>> -> memref<128x128xf32, #tpu.memory_space<vmem>>
      %dma_wait3A_529 = arith.constant 0 : i32
      %dma_wait3A_530 = tpu.memref_slice %arg8[%dma_wait3A_522, %dma_wait3A_529] : memref<8x128xi32, #tpu.memory_space<vmem>> -> memref<1x128xi32, #tpu.memory_space<vmem>>
      %dma_wait3A_531 = tpu.memref_squeeze %dma_wait3A_530 : memref<1x128xi32, #tpu.memory_space<vmem>> -> memref<128xi32, #tpu.memory_space<vmem>>
      %dma_wait3A_532 = arith.constant 0 : i32
      %dma_wait3A_533 = arith.constant 0 : i32
      %dma_wait3A_534 = tpu.memref_slice %arg2[%dma_wait3A_532, %dma_wait3A_533] : memref<80000x128xf32, #tpu.memory_space<hbm>> -> memref<80000x128xf32, #tpu.memory_space<hbm>>
      %dma_wait3A_535 = tpu.memref_slice %arg13[%dma_wait3A_524] : memref<2x!tpu.dma_semaphore, #tpu.memory_space<semaphore_mem>> -> memref<1x!tpu.dma_semaphore, #tpu.memory_space<semaphore_mem>>
      %dma_wait3A_536 = tpu.memref_squeeze %dma_wait3A_535 : memref<1x!tpu.dma_semaphore, #tpu.memory_space<semaphore_mem>> -> memref<!tpu.dma_semaphore, #tpu.memory_space<semaphore_mem>>
      tpu.wait_indirect_dma semaphore(%dma_wait3A_536 : memref<!tpu.dma_semaphore, #tpu.memory_space<semaphore_mem>>) src(%dma_wait3A_534 : memref<80000x128xf32, #tpu.memory_space<hbm>>) dst(%dma_wait3A_528 : memref<128x128xf32, #tpu.memory_space<vmem>>)
      %run_scoped3A_537 = arith.constant 0 : i32
      %run_scoped3A_538 = arith.constant 2 : i32
      "tpu.region"() ({
        %run_scoped3A_728 = tpu.sem_alloc : memref<!tpu.dma_semaphore, #tpu.memory_space<semaphore_mem>>
        %dma_start3A_729 = arith.constant 0 : i32
        %dma_start3A_730 = arith.constant 0 : i32
        %dma_start3A_731 = tpu.memref_slice %arg11[%run_scoped3A_537, %dma_start3A_729, %dma_start3A_730] : memref<2x128x128xf32, #tpu.memory_space<vmem>> -> memref<1x128x128xf32, #tpu.memory_space<vmem>>
        %dma_start3A_732 = tpu.memref_squeeze %dma_start3A_731 : memref<1x128x128xf32, #tpu.memory_space<vmem>> -> memref<128x128xf32, #tpu.memory_space<vmem>>
        %dma_start3A_733 = arith.constant 0 : i32
        %dma_start3A_734 = tpu.memref_slice %arg10[%run_scoped3A_538, %dma_start3A_733] : memref<8x128xi32, #tpu.memory_space<vmem>> -> memref<1x128xi32, #tpu.memory_space<vmem>>
        %dma_start3A_735 = tpu.memref_squeeze %dma_start3A_734 : memref<1x128xi32, #tpu.memory_space<vmem>> -> memref<128xi32, #tpu.memory_space<vmem>>
        %dma_start3A_736 = arith.constant 0 : i32
        %dma_start3A_737 = arith.constant 0 : i32
        %dma_start3A_738 = tpu.memref_slice %arg12[%dma_start3A_736, %dma_start3A_737] : memref<10240x128xf32, #tpu.memory_space<vmem_shared>> -> memref<10240x128xf32, #tpu.memory_space<vmem_shared>>
        tpu.enqueue_indirect_dma source(%dma_start3A_732 : memref<128x128xf32, #tpu.memory_space<vmem>>) target(%dma_start3A_738 : memref<10240x128xf32, #tpu.memory_space<vmem_shared>>) offsets(%dma_start3A_735 : memref<128xi32, #tpu.memory_space<vmem>>) semaphore(%run_scoped3A_728 : memref<!tpu.dma_semaphore, #tpu.memory_space<semaphore_mem>>) {add = true}
        %dma_wait3A_739 = arith.constant 0 : i32
        %dma_wait3A_740 = arith.constant 0 : i32
        %dma_wait3A_741 = tpu.memref_slice %arg11[%run_scoped3A_537, %dma_wait3A_739, %dma_wait3A_740] : memref<2x128x128xf32, #tpu.memory_space<vmem>> -> memref<1x128x128xf32, #tpu.memory_space<vmem>>
        %dma_wait3A_742 = tpu.memref_squeeze %dma_wait3A_741 : memref<1x128x128xf32, #tpu.memory_space<vmem>> -> memref<128x128xf32, #tpu.memory_space<vmem>>
        %dma_wait3A_743 = arith.constant 0 : i32
        %dma_wait3A_744 = tpu.memref_slice %arg10[%run_scoped3A_538, %dma_wait3A_743] : memref<8x128xi32, #tpu.memory_space<vmem>> -> memref<1x128xi32, #tpu.memory_space<vmem>>
        %dma_wait3A_745 = tpu.memref_squeeze %dma_wait3A_744 : memref<1x128xi32, #tpu.memory_space<vmem>> -> memref<128xi32, #tpu.memory_space<vmem>>
        %dma_wait3A_746 = arith.constant 0 : i32
        %dma_wait3A_747 = arith.constant 0 : i32
        %dma_wait3A_748 = tpu.memref_slice %arg12[%dma_wait3A_746, %dma_wait3A_747] : memref<10240x128xf32, #tpu.memory_space<vmem_shared>> -> memref<10240x128xf32, #tpu.memory_space<vmem_shared>>
        tpu.wait_indirect_dma semaphore(%run_scoped3A_728 : memref<!tpu.dma_semaphore, #tpu.memory_space<semaphore_mem>>) src(%dma_wait3A_742 : memref<128x128xf32, #tpu.memory_space<vmem>>) dst(%dma_wait3A_748 : memref<10240x128xf32, #tpu.memory_space<vmem_shared>>)
        tpu.yield
      }) : () -> ()
      %dma_start3A_539 = arith.constant 4 : i32
      %dma_start3A_540 = arith.constant 0 : i32
      %dma_start3A_541 = arith.constant 0 : i32
      %dma_start3A_542 = arith.constant 0 : i32
      %dma_start3A_543 = arith.constant 0 : i32
      %dma_start3A_544 = tpu.memref_slice %arg11[%dma_start3A_540, %dma_start3A_542, %dma_start3A_543] : memref<2x128x128xf32, #tpu.memory_space<vmem>> -> memref<1x128x128xf32, #tpu.memory_space<vmem>>
      %dma_start3A_545 = tpu.memref_squeeze %dma_start3A_544 : memref<1x128x128xf32, #tpu.memory_space<vmem>> -> memref<128x128xf32, #tpu.memory_space<vmem>>
      %dma_start3A_546 = arith.constant 0 : i32
      %dma_start3A_547 = tpu.memref_slice %arg8[%dma_start3A_539, %dma_start3A_546] : memref<8x128xi32, #tpu.memory_space<vmem>> -> memref<1x128xi32, #tpu.memory_space<vmem>>
      %dma_start3A_548 = tpu.memref_squeeze %dma_start3A_547 : memref<1x128xi32, #tpu.memory_space<vmem>> -> memref<128xi32, #tpu.memory_space<vmem>>
      %dma_start3A_549 = arith.constant 0 : i32
      %dma_start3A_550 = arith.constant 0 : i32
      %dma_start3A_551 = tpu.memref_slice %arg2[%dma_start3A_549, %dma_start3A_550] : memref<80000x128xf32, #tpu.memory_space<hbm>> -> memref<80000x128xf32, #tpu.memory_space<hbm>>
      %dma_start3A_552 = tpu.memref_slice %arg13[%dma_start3A_541] : memref<2x!tpu.dma_semaphore, #tpu.memory_space<semaphore_mem>> -> memref<1x!tpu.dma_semaphore, #tpu.memory_space<semaphore_mem>>
      %dma_start3A_553 = tpu.memref_squeeze %dma_start3A_552 : memref<1x!tpu.dma_semaphore, #tpu.memory_space<semaphore_mem>> -> memref<!tpu.dma_semaphore, #tpu.memory_space<semaphore_mem>>
      tpu.enqueue_indirect_dma source(%dma_start3A_551 : memref<80000x128xf32, #tpu.memory_space<hbm>>) target(%dma_start3A_545 : memref<128x128xf32, #tpu.memory_space<vmem>>) offsets(%dma_start3A_548 : memref<128xi32, #tpu.memory_space<vmem>>) semaphore(%dma_start3A_553 : memref<!tpu.dma_semaphore, #tpu.memory_space<semaphore_mem>>)
      %add3A_554 = arith.constant 1 : i32
      %add3A_555 = arith.addi %add3A_106, %add3A_554 : i32
      %mul3A_556 = arith.constant 8 : i32
      %mul3A_557 = arith.muli %add3A_555, %mul3A_556 : i32
      %add3A_558 = arith.constant 3 : i32
      %add3A_559 = arith.addi %mul3A_557, %add3A_558 : i32
      %dma_wait3A_560 = arith.constant 3 : i32
      %dma_wait3A_561 = arith.constant 1 : i32
      %dma_wait3A_562 = arith.constant 1 : i32
      %dma_wait3A_563 = arith.constant 0 : i32
      %dma_wait3A_564 = arith.constant 0 : i32
      %dma_wait3A_565 = tpu.memref_slice %arg11[%dma_wait3A_561, %dma_wait3A_563, %dma_wait3A_564] : memref<2x128x128xf32, #tpu.memory_space<vmem>> -> memref<1x128x128xf32, #tpu.memory_space<vmem>>
      %dma_wait3A_566 = tpu.memref_squeeze %dma_wait3A_565 : memref<1x128x128xf32, #tpu.memory_space<vmem>> -> memref<128x128xf32, #tpu.memory_space<vmem>>
      %dma_wait3A_567 = arith.constant 0 : i32
      %dma_wait3A_568 = tpu.memref_slice %arg8[%dma_wait3A_560, %dma_wait3A_567] : memref<8x128xi32, #tpu.memory_space<vmem>> -> memref<1x128xi32, #tpu.memory_space<vmem>>
      %dma_wait3A_569 = tpu.memref_squeeze %dma_wait3A_568 : memref<1x128xi32, #tpu.memory_space<vmem>> -> memref<128xi32, #tpu.memory_space<vmem>>
      %dma_wait3A_570 = arith.constant 0 : i32
      %dma_wait3A_571 = arith.constant 0 : i32
      %dma_wait3A_572 = tpu.memref_slice %arg2[%dma_wait3A_570, %dma_wait3A_571] : memref<80000x128xf32, #tpu.memory_space<hbm>> -> memref<80000x128xf32, #tpu.memory_space<hbm>>
      %dma_wait3A_573 = tpu.memref_slice %arg13[%dma_wait3A_562] : memref<2x!tpu.dma_semaphore, #tpu.memory_space<semaphore_mem>> -> memref<1x!tpu.dma_semaphore, #tpu.memory_space<semaphore_mem>>
      %dma_wait3A_574 = tpu.memref_squeeze %dma_wait3A_573 : memref<1x!tpu.dma_semaphore, #tpu.memory_space<semaphore_mem>> -> memref<!tpu.dma_semaphore, #tpu.memory_space<semaphore_mem>>
      tpu.wait_indirect_dma semaphore(%dma_wait3A_574 : memref<!tpu.dma_semaphore, #tpu.memory_space<semaphore_mem>>) src(%dma_wait3A_572 : memref<80000x128xf32, #tpu.memory_space<hbm>>) dst(%dma_wait3A_566 : memref<128x128xf32, #tpu.memory_space<vmem>>)
      %run_scoped3A_575 = arith.constant 1 : i32
      %run_scoped3A_576 = arith.constant 3 : i32
      "tpu.region"() ({
        %run_scoped3A_728 = tpu.sem_alloc : memref<!tpu.dma_semaphore, #tpu.memory_space<semaphore_mem>>
        %dma_start3A_729 = arith.constant 0 : i32
        %dma_start3A_730 = arith.constant 0 : i32
        %dma_start3A_731 = tpu.memref_slice %arg11[%run_scoped3A_575, %dma_start3A_729, %dma_start3A_730] : memref<2x128x128xf32, #tpu.memory_space<vmem>> -> memref<1x128x128xf32, #tpu.memory_space<vmem>>
        %dma_start3A_732 = tpu.memref_squeeze %dma_start3A_731 : memref<1x128x128xf32, #tpu.memory_space<vmem>> -> memref<128x128xf32, #tpu.memory_space<vmem>>
        %dma_start3A_733 = arith.constant 0 : i32
        %dma_start3A_734 = tpu.memref_slice %arg10[%run_scoped3A_576, %dma_start3A_733] : memref<8x128xi32, #tpu.memory_space<vmem>> -> memref<1x128xi32, #tpu.memory_space<vmem>>
        %dma_start3A_735 = tpu.memref_squeeze %dma_start3A_734 : memref<1x128xi32, #tpu.memory_space<vmem>> -> memref<128xi32, #tpu.memory_space<vmem>>
        %dma_start3A_736 = arith.constant 0 : i32
        %dma_start3A_737 = arith.constant 0 : i32
        %dma_start3A_738 = tpu.memref_slice %arg12[%dma_start3A_736, %dma_start3A_737] : memref<10240x128xf32, #tpu.memory_space<vmem_shared>> -> memref<10240x128xf32, #tpu.memory_space<vmem_shared>>
        tpu.enqueue_indirect_dma source(%dma_start3A_732 : memref<128x128xf32, #tpu.memory_space<vmem>>) target(%dma_start3A_738 : memref<10240x128xf32, #tpu.memory_space<vmem_shared>>) offsets(%dma_start3A_735 : memref<128xi32, #tpu.memory_space<vmem>>) semaphore(%run_scoped3A_728 : memref<!tpu.dma_semaphore, #tpu.memory_space<semaphore_mem>>) {add = true}
        %dma_wait3A_739 = arith.constant 0 : i32
        %dma_wait3A_740 = arith.constant 0 : i32
        %dma_wait3A_741 = tpu.memref_slice %arg11[%run_scoped3A_575, %dma_wait3A_739, %dma_wait3A_740] : memref<2x128x128xf32, #tpu.memory_space<vmem>> -> memref<1x128x128xf32, #tpu.memory_space<vmem>>
        %dma_wait3A_742 = tpu.memref_squeeze %dma_wait3A_741 : memref<1x128x128xf32, #tpu.memory_space<vmem>> -> memref<128x128xf32, #tpu.memory_space<vmem>>
        %dma_wait3A_743 = arith.constant 0 : i32
        %dma_wait3A_744 = tpu.memref_slice %arg10[%run_scoped3A_576, %dma_wait3A_743] : memref<8x128xi32, #tpu.memory_space<vmem>> -> memref<1x128xi32, #tpu.memory_space<vmem>>
        %dma_wait3A_745 = tpu.memref_squeeze %dma_wait3A_744 : memref<1x128xi32, #tpu.memory_space<vmem>> -> memref<128xi32, #tpu.memory_space<vmem>>
        %dma_wait3A_746 = arith.constant 0 : i32
        %dma_wait3A_747 = arith.constant 0 : i32
        %dma_wait3A_748 = tpu.memref_slice %arg12[%dma_wait3A_746, %dma_wait3A_747] : memref<10240x128xf32, #tpu.memory_space<vmem_shared>> -> memref<10240x128xf32, #tpu.memory_space<vmem_shared>>
        tpu.wait_indirect_dma semaphore(%run_scoped3A_728 : memref<!tpu.dma_semaphore, #tpu.memory_space<semaphore_mem>>) src(%dma_wait3A_742 : memref<128x128xf32, #tpu.memory_space<vmem>>) dst(%dma_wait3A_748 : memref<10240x128xf32, #tpu.memory_space<vmem_shared>>)
        tpu.yield
      }) : () -> ()
      %dma_start3A_577 = arith.constant 5 : i32
      %dma_start3A_578 = arith.constant 1 : i32
      %dma_start3A_579 = arith.constant 1 : i32
      %dma_start3A_580 = arith.constant 0 : i32
      %dma_start3A_581 = arith.constant 0 : i32
      %dma_start3A_582 = tpu.memref_slice %arg11[%dma_start3A_578, %dma_start3A_580, %dma_start3A_581] : memref<2x128x128xf32, #tpu.memory_space<vmem>> -> memref<1x128x128xf32, #tpu.memory_space<vmem>>
      %dma_start3A_583 = tpu.memref_squeeze %dma_start3A_582 : memref<1x128x128xf32, #tpu.memory_space<vmem>> -> memref<128x128xf32, #tpu.memory_space<vmem>>
      %dma_start3A_584 = arith.constant 0 : i32
      %dma_start3A_585 = tpu.memref_slice %arg8[%dma_start3A_577, %dma_start3A_584] : memref<8x128xi32, #tpu.memory_space<vmem>> -> memref<1x128xi32, #tpu.memory_space<vmem>>
      %dma_start3A_586 = tpu.memref_squeeze %dma_start3A_585 : memref<1x128xi32, #tpu.memory_space<vmem>> -> memref<128xi32, #tpu.memory_space<vmem>>
      %dma_start3A_587 = arith.constant 0 : i32
      %dma_start3A_588 = arith.constant 0 : i32
      %dma_start3A_589 = tpu.memref_slice %arg2[%dma_start3A_587, %dma_start3A_588] : memref<80000x128xf32, #tpu.memory_space<hbm>> -> memref<80000x128xf32, #tpu.memory_space<hbm>>
      %dma_start3A_590 = tpu.memref_slice %arg13[%dma_start3A_579] : memref<2x!tpu.dma_semaphore, #tpu.memory_space<semaphore_mem>> -> memref<1x!tpu.dma_semaphore, #tpu.memory_space<semaphore_mem>>
      %dma_start3A_591 = tpu.memref_squeeze %dma_start3A_590 : memref<1x!tpu.dma_semaphore, #tpu.memory_space<semaphore_mem>> -> memref<!tpu.dma_semaphore, #tpu.memory_space<semaphore_mem>>
      tpu.enqueue_indirect_dma source(%dma_start3A_589 : memref<80000x128xf32, #tpu.memory_space<hbm>>) target(%dma_start3A_583 : memref<128x128xf32, #tpu.memory_space<vmem>>) offsets(%dma_start3A_586 : memref<128xi32, #tpu.memory_space<vmem>>) semaphore(%dma_start3A_591 : memref<!tpu.dma_semaphore, #tpu.memory_space<semaphore_mem>>)
      %add3A_592 = arith.constant 1 : i32
      %add3A_593 = arith.addi %add3A_106, %add3A_592 : i32
      %mul3A_594 = arith.constant 8 : i32
      %mul3A_595 = arith.muli %add3A_593, %mul3A_594 : i32
      %add3A_596 = arith.constant 4 : i32
      %add3A_597 = arith.addi %mul3A_595, %add3A_596 : i32
      %dma_wait3A_598 = arith.constant 4 : i32
      %dma_wait3A_599 = arith.constant 0 : i32
      %dma_wait3A_600 = arith.constant 0 : i32
      %dma_wait3A_601 = arith.constant 0 : i32
      %dma_wait3A_602 = arith.constant 0 : i32
      %dma_wait3A_603 = tpu.memref_slice %arg11[%dma_wait3A_599, %dma_wait3A_601, %dma_wait3A_602] : memref<2x128x128xf32, #tpu.memory_space<vmem>> -> memref<1x128x128xf32, #tpu.memory_space<vmem>>
      %dma_wait3A_604 = tpu.memref_squeeze %dma_wait3A_603 : memref<1x128x128xf32, #tpu.memory_space<vmem>> -> memref<128x128xf32, #tpu.memory_space<vmem>>
      %dma_wait3A_605 = arith.constant 0 : i32
      %dma_wait3A_606 = tpu.memref_slice %arg8[%dma_wait3A_598, %dma_wait3A_605] : memref<8x128xi32, #tpu.memory_space<vmem>> -> memref<1x128xi32, #tpu.memory_space<vmem>>
      %dma_wait3A_607 = tpu.memref_squeeze %dma_wait3A_606 : memref<1x128xi32, #tpu.memory_space<vmem>> -> memref<128xi32, #tpu.memory_space<vmem>>
      %dma_wait3A_608 = arith.constant 0 : i32
      %dma_wait3A_609 = arith.constant 0 : i32
      %dma_wait3A_610 = tpu.memref_slice %arg2[%dma_wait3A_608, %dma_wait3A_609] : memref<80000x128xf32, #tpu.memory_space<hbm>> -> memref<80000x128xf32, #tpu.memory_space<hbm>>
      %dma_wait3A_611 = tpu.memref_slice %arg13[%dma_wait3A_600] : memref<2x!tpu.dma_semaphore, #tpu.memory_space<semaphore_mem>> -> memref<1x!tpu.dma_semaphore, #tpu.memory_space<semaphore_mem>>
      %dma_wait3A_612 = tpu.memref_squeeze %dma_wait3A_611 : memref<1x!tpu.dma_semaphore, #tpu.memory_space<semaphore_mem>> -> memref<!tpu.dma_semaphore, #tpu.memory_space<semaphore_mem>>
      tpu.wait_indirect_dma semaphore(%dma_wait3A_612 : memref<!tpu.dma_semaphore, #tpu.memory_space<semaphore_mem>>) src(%dma_wait3A_610 : memref<80000x128xf32, #tpu.memory_space<hbm>>) dst(%dma_wait3A_604 : memref<128x128xf32, #tpu.memory_space<vmem>>)
      %run_scoped3A_613 = arith.constant 0 : i32
      %run_scoped3A_614 = arith.constant 4 : i32
      "tpu.region"() ({
        %run_scoped3A_728 = tpu.sem_alloc : memref<!tpu.dma_semaphore, #tpu.memory_space<semaphore_mem>>
        %dma_start3A_729 = arith.constant 0 : i32
        %dma_start3A_730 = arith.constant 0 : i32
        %dma_start3A_731 = tpu.memref_slice %arg11[%run_scoped3A_613, %dma_start3A_729, %dma_start3A_730] : memref<2x128x128xf32, #tpu.memory_space<vmem>> -> memref<1x128x128xf32, #tpu.memory_space<vmem>>
        %dma_start3A_732 = tpu.memref_squeeze %dma_start3A_731 : memref<1x128x128xf32, #tpu.memory_space<vmem>> -> memref<128x128xf32, #tpu.memory_space<vmem>>
        %dma_start3A_733 = arith.constant 0 : i32
        %dma_start3A_734 = tpu.memref_slice %arg10[%run_scoped3A_614, %dma_start3A_733] : memref<8x128xi32, #tpu.memory_space<vmem>> -> memref<1x128xi32, #tpu.memory_space<vmem>>
        %dma_start3A_735 = tpu.memref_squeeze %dma_start3A_734 : memref<1x128xi32, #tpu.memory_space<vmem>> -> memref<128xi32, #tpu.memory_space<vmem>>
        %dma_start3A_736 = arith.constant 0 : i32
        %dma_start3A_737 = arith.constant 0 : i32
        %dma_start3A_738 = tpu.memref_slice %arg12[%dma_start3A_736, %dma_start3A_737] : memref<10240x128xf32, #tpu.memory_space<vmem_shared>> -> memref<10240x128xf32, #tpu.memory_space<vmem_shared>>
        tpu.enqueue_indirect_dma source(%dma_start3A_732 : memref<128x128xf32, #tpu.memory_space<vmem>>) target(%dma_start3A_738 : memref<10240x128xf32, #tpu.memory_space<vmem_shared>>) offsets(%dma_start3A_735 : memref<128xi32, #tpu.memory_space<vmem>>) semaphore(%run_scoped3A_728 : memref<!tpu.dma_semaphore, #tpu.memory_space<semaphore_mem>>) {add = true}
        %dma_wait3A_739 = arith.constant 0 : i32
        %dma_wait3A_740 = arith.constant 0 : i32
        %dma_wait3A_741 = tpu.memref_slice %arg11[%run_scoped3A_613, %dma_wait3A_739, %dma_wait3A_740] : memref<2x128x128xf32, #tpu.memory_space<vmem>> -> memref<1x128x128xf32, #tpu.memory_space<vmem>>
        %dma_wait3A_742 = tpu.memref_squeeze %dma_wait3A_741 : memref<1x128x128xf32, #tpu.memory_space<vmem>> -> memref<128x128xf32, #tpu.memory_space<vmem>>
        %dma_wait3A_743 = arith.constant 0 : i32
        %dma_wait3A_744 = tpu.memref_slice %arg10[%run_scoped3A_614, %dma_wait3A_743] : memref<8x128xi32, #tpu.memory_space<vmem>> -> memref<1x128xi32, #tpu.memory_space<vmem>>
        %dma_wait3A_745 = tpu.memref_squeeze %dma_wait3A_744 : memref<1x128xi32, #tpu.memory_space<vmem>> -> memref<128xi32, #tpu.memory_space<vmem>>
        %dma_wait3A_746 = arith.constant 0 : i32
        %dma_wait3A_747 = arith.constant 0 : i32
        %dma_wait3A_748 = tpu.memref_slice %arg12[%dma_wait3A_746, %dma_wait3A_747] : memref<10240x128xf32, #tpu.memory_space<vmem_shared>> -> memref<10240x128xf32, #tpu.memory_space<vmem_shared>>
        tpu.wait_indirect_dma semaphore(%run_scoped3A_728 : memref<!tpu.dma_semaphore, #tpu.memory_space<semaphore_mem>>) src(%dma_wait3A_742 : memref<128x128xf32, #tpu.memory_space<vmem>>) dst(%dma_wait3A_748 : memref<10240x128xf32, #tpu.memory_space<vmem_shared>>)
        tpu.yield
      }) : () -> ()
      %dma_start3A_615 = arith.constant 6 : i32
      %dma_start3A_616 = arith.constant 0 : i32
      %dma_start3A_617 = arith.constant 0 : i32
      %dma_start3A_618 = arith.constant 0 : i32
      %dma_start3A_619 = arith.constant 0 : i32
      %dma_start3A_620 = tpu.memref_slice %arg11[%dma_start3A_616, %dma_start3A_618, %dma_start3A_619] : memref<2x128x128xf32, #tpu.memory_space<vmem>> -> memref<1x128x128xf32, #tpu.memory_space<vmem>>
      %dma_start3A_621 = tpu.memref_squeeze %dma_start3A_620 : memref<1x128x128xf32, #tpu.memory_space<vmem>> -> memref<128x128xf32, #tpu.memory_space<vmem>>
      %dma_start3A_622 = arith.constant 0 : i32
      %dma_start3A_623 = tpu.memref_slice %arg8[%dma_start3A_615, %dma_start3A_622] : memref<8x128xi32, #tpu.memory_space<vmem>> -> memref<1x128xi32, #tpu.memory_space<vmem>>
      %dma_start3A_624 = tpu.memref_squeeze %dma_start3A_623 : memref<1x128xi32, #tpu.memory_space<vmem>> -> memref<128xi32, #tpu.memory_space<vmem>>
      %dma_start3A_625 = arith.constant 0 : i32
      %dma_start3A_626 = arith.constant 0 : i32
      %dma_start3A_627 = tpu.memref_slice %arg2[%dma_start3A_625, %dma_start3A_626] : memref<80000x128xf32, #tpu.memory_space<hbm>> -> memref<80000x128xf32, #tpu.memory_space<hbm>>
      %dma_start3A_628 = tpu.memref_slice %arg13[%dma_start3A_617] : memref<2x!tpu.dma_semaphore, #tpu.memory_space<semaphore_mem>> -> memref<1x!tpu.dma_semaphore, #tpu.memory_space<semaphore_mem>>
      %dma_start3A_629 = tpu.memref_squeeze %dma_start3A_628 : memref<1x!tpu.dma_semaphore, #tpu.memory_space<semaphore_mem>> -> memref<!tpu.dma_semaphore, #tpu.memory_space<semaphore_mem>>
      tpu.enqueue_indirect_dma source(%dma_start3A_627 : memref<80000x128xf32, #tpu.memory_space<hbm>>) target(%dma_start3A_621 : memref<128x128xf32, #tpu.memory_space<vmem>>) offsets(%dma_start3A_624 : memref<128xi32, #tpu.memory_space<vmem>>) semaphore(%dma_start3A_629 : memref<!tpu.dma_semaphore, #tpu.memory_space<semaphore_mem>>)
      %add3A_630 = arith.constant 1 : i32
      %add3A_631 = arith.addi %add3A_106, %add3A_630 : i32
      %mul3A_632 = arith.constant 8 : i32
      %mul3A_633 = arith.muli %add3A_631, %mul3A_632 : i32
      %add3A_634 = arith.constant 5 : i32
      %add3A_635 = arith.addi %mul3A_633, %add3A_634 : i32
      %dma_wait3A_636 = arith.constant 5 : i32
      %dma_wait3A_637 = arith.constant 1 : i32
      %dma_wait3A_638 = arith.constant 1 : i32
      %dma_wait3A_639 = arith.constant 0 : i32
      %dma_wait3A_640 = arith.constant 0 : i32
      %dma_wait3A_641 = tpu.memref_slice %arg11[%dma_wait3A_637, %dma_wait3A_639, %dma_wait3A_640] : memref<2x128x128xf32, #tpu.memory_space<vmem>> -> memref<1x128x128xf32, #tpu.memory_space<vmem>>
      %dma_wait3A_642 = tpu.memref_squeeze %dma_wait3A_641 : memref<1x128x128xf32, #tpu.memory_space<vmem>> -> memref<128x128xf32, #tpu.memory_space<vmem>>
      %dma_wait3A_643 = arith.constant 0 : i32
      %dma_wait3A_644 = tpu.memref_slice %arg8[%dma_wait3A_636, %dma_wait3A_643] : memref<8x128xi32, #tpu.memory_space<vmem>> -> memref<1x128xi32, #tpu.memory_space<vmem>>
      %dma_wait3A_645 = tpu.memref_squeeze %dma_wait3A_644 : memref<1x128xi32, #tpu.memory_space<vmem>> -> memref<128xi32, #tpu.memory_space<vmem>>
      %dma_wait3A_646 = arith.constant 0 : i32
      %dma_wait3A_647 = arith.constant 0 : i32
      %dma_wait3A_648 = tpu.memref_slice %arg2[%dma_wait3A_646, %dma_wait3A_647] : memref<80000x128xf32, #tpu.memory_space<hbm>> -> memref<80000x128xf32, #tpu.memory_space<hbm>>
      %dma_wait3A_649 = tpu.memref_slice %arg13[%dma_wait3A_638] : memref<2x!tpu.dma_semaphore, #tpu.memory_space<semaphore_mem>> -> memref<1x!tpu.dma_semaphore, #tpu.memory_space<semaphore_mem>>
      %dma_wait3A_650 = tpu.memref_squeeze %dma_wait3A_649 : memref<1x!tpu.dma_semaphore, #tpu.memory_space<semaphore_mem>> -> memref<!tpu.dma_semaphore, #tpu.memory_space<semaphore_mem>>
      tpu.wait_indirect_dma semaphore(%dma_wait3A_650 : memref<!tpu.dma_semaphore, #tpu.memory_space<semaphore_mem>>) src(%dma_wait3A_648 : memref<80000x128xf32, #tpu.memory_space<hbm>>) dst(%dma_wait3A_642 : memref<128x128xf32, #tpu.memory_space<vmem>>)
      %run_scoped3A_651 = arith.constant 1 : i32
      %run_scoped3A_652 = arith.constant 5 : i32
      "tpu.region"() ({
        %run_scoped3A_728 = tpu.sem_alloc : memref<!tpu.dma_semaphore, #tpu.memory_space<semaphore_mem>>
        %dma_start3A_729 = arith.constant 0 : i32
        %dma_start3A_730 = arith.constant 0 : i32
        %dma_start3A_731 = tpu.memref_slice %arg11[%run_scoped3A_651, %dma_start3A_729, %dma_start3A_730] : memref<2x128x128xf32, #tpu.memory_space<vmem>> -> memref<1x128x128xf32, #tpu.memory_space<vmem>>
        %dma_start3A_732 = tpu.memref_squeeze %dma_start3A_731 : memref<1x128x128xf32, #tpu.memory_space<vmem>> -> memref<128x128xf32, #tpu.memory_space<vmem>>
        %dma_start3A_733 = arith.constant 0 : i32
        %dma_start3A_734 = tpu.memref_slice %arg10[%run_scoped3A_652, %dma_start3A_733] : memref<8x128xi32, #tpu.memory_space<vmem>> -> memref<1x128xi32, #tpu.memory_space<vmem>>
        %dma_start3A_735 = tpu.memref_squeeze %dma_start3A_734 : memref<1x128xi32, #tpu.memory_space<vmem>> -> memref<128xi32, #tpu.memory_space<vmem>>
        %dma_start3A_736 = arith.constant 0 : i32
        %dma_start3A_737 = arith.constant 0 : i32
        %dma_start3A_738 = tpu.memref_slice %arg12[%dma_start3A_736, %dma_start3A_737] : memref<10240x128xf32, #tpu.memory_space<vmem_shared>> -> memref<10240x128xf32, #tpu.memory_space<vmem_shared>>
        tpu.enqueue_indirect_dma source(%dma_start3A_732 : memref<128x128xf32, #tpu.memory_space<vmem>>) target(%dma_start3A_738 : memref<10240x128xf32, #tpu.memory_space<vmem_shared>>) offsets(%dma_start3A_735 : memref<128xi32, #tpu.memory_space<vmem>>) semaphore(%run_scoped3A_728 : memref<!tpu.dma_semaphore, #tpu.memory_space<semaphore_mem>>) {add = true}
        %dma_wait3A_739 = arith.constant 0 : i32
        %dma_wait3A_740 = arith.constant 0 : i32
        %dma_wait3A_741 = tpu.memref_slice %arg11[%run_scoped3A_651, %dma_wait3A_739, %dma_wait3A_740] : memref<2x128x128xf32, #tpu.memory_space<vmem>> -> memref<1x128x128xf32, #tpu.memory_space<vmem>>
        %dma_wait3A_742 = tpu.memref_squeeze %dma_wait3A_741 : memref<1x128x128xf32, #tpu.memory_space<vmem>> -> memref<128x128xf32, #tpu.memory_space<vmem>>
        %dma_wait3A_743 = arith.constant 0 : i32
        %dma_wait3A_744 = tpu.memref_slice %arg10[%run_scoped3A_652, %dma_wait3A_743] : memref<8x128xi32, #tpu.memory_space<vmem>> -> memref<1x128xi32, #tpu.memory_space<vmem>>
        %dma_wait3A_745 = tpu.memref_squeeze %dma_wait3A_744 : memref<1x128xi32, #tpu.memory_space<vmem>> -> memref<128xi32, #tpu.memory_space<vmem>>
        %dma_wait3A_746 = arith.constant 0 : i32
        %dma_wait3A_747 = arith.constant 0 : i32
        %dma_wait3A_748 = tpu.memref_slice %arg12[%dma_wait3A_746, %dma_wait3A_747] : memref<10240x128xf32, #tpu.memory_space<vmem_shared>> -> memref<10240x128xf32, #tpu.memory_space<vmem_shared>>
        tpu.wait_indirect_dma semaphore(%run_scoped3A_728 : memref<!tpu.dma_semaphore, #tpu.memory_space<semaphore_mem>>) src(%dma_wait3A_742 : memref<128x128xf32, #tpu.memory_space<vmem>>) dst(%dma_wait3A_748 : memref<10240x128xf32, #tpu.memory_space<vmem_shared>>)
        tpu.yield
      }) : () -> ()
      %dma_start3A_653 = arith.constant 7 : i32
      %dma_start3A_654 = arith.constant 1 : i32
      %dma_start3A_655 = arith.constant 1 : i32
      %dma_start3A_656 = arith.constant 0 : i32
      %dma_start3A_657 = arith.constant 0 : i32
      %dma_start3A_658 = tpu.memref_slice %arg11[%dma_start3A_654, %dma_start3A_656, %dma_start3A_657] : memref<2x128x128xf32, #tpu.memory_space<vmem>> -> memref<1x128x128xf32, #tpu.memory_space<vmem>>
      %dma_start3A_659 = tpu.memref_squeeze %dma_start3A_658 : memref<1x128x128xf32, #tpu.memory_space<vmem>> -> memref<128x128xf32, #tpu.memory_space<vmem>>
      %dma_start3A_660 = arith.constant 0 : i32
      %dma_start3A_661 = tpu.memref_slice %arg8[%dma_start3A_653, %dma_start3A_660] : memref<8x128xi32, #tpu.memory_space<vmem>> -> memref<1x128xi32, #tpu.memory_space<vmem>>
      %dma_start3A_662 = tpu.memref_squeeze %dma_start3A_661 : memref<1x128xi32, #tpu.memory_space<vmem>> -> memref<128xi32, #tpu.memory_space<vmem>>
      %dma_start3A_663 = arith.constant 0 : i32
      %dma_start3A_664 = arith.constant 0 : i32
      %dma_start3A_665 = tpu.memref_slice %arg2[%dma_start3A_663, %dma_start3A_664] : memref<80000x128xf32, #tpu.memory_space<hbm>> -> memref<80000x128xf32, #tpu.memory_space<hbm>>
      %dma_start3A_666 = tpu.memref_slice %arg13[%dma_start3A_655] : memref<2x!tpu.dma_semaphore, #tpu.memory_space<semaphore_mem>> -> memref<1x!tpu.dma_semaphore, #tpu.memory_space<semaphore_mem>>
      %dma_start3A_667 = tpu.memref_squeeze %dma_start3A_666 : memref<1x!tpu.dma_semaphore, #tpu.memory_space<semaphore_mem>> -> memref<!tpu.dma_semaphore, #tpu.memory_space<semaphore_mem>>
      tpu.enqueue_indirect_dma source(%dma_start3A_665 : memref<80000x128xf32, #tpu.memory_space<hbm>>) target(%dma_start3A_659 : memref<128x128xf32, #tpu.memory_space<vmem>>) offsets(%dma_start3A_662 : memref<128xi32, #tpu.memory_space<vmem>>) semaphore(%dma_start3A_667 : memref<!tpu.dma_semaphore, #tpu.memory_space<semaphore_mem>>)
      %add3A_668 = arith.constant 1 : i32
      %add3A_669 = arith.addi %add3A_106, %add3A_668 : i32
      %mul3A_670 = arith.constant 8 : i32
      %mul3A_671 = arith.muli %add3A_669, %mul3A_670 : i32
      %add3A_672 = arith.constant 6 : i32
      %add3A_673 = arith.addi %mul3A_671, %add3A_672 : i32
      %dma_wait3A_674 = arith.constant 6 : i32
      %dma_wait3A_675 = arith.constant 0 : i32
      %dma_wait3A_676 = arith.constant 0 : i32
      %dma_wait3A_677 = arith.constant 0 : i32
      %dma_wait3A_678 = arith.constant 0 : i32
      %dma_wait3A_679 = tpu.memref_slice %arg11[%dma_wait3A_675, %dma_wait3A_677, %dma_wait3A_678] : memref<2x128x128xf32, #tpu.memory_space<vmem>> -> memref<1x128x128xf32, #tpu.memory_space<vmem>>
      %dma_wait3A_680 = tpu.memref_squeeze %dma_wait3A_679 : memref<1x128x128xf32, #tpu.memory_space<vmem>> -> memref<128x128xf32, #tpu.memory_space<vmem>>
      %dma_wait3A_681 = arith.constant 0 : i32
      %dma_wait3A_682 = tpu.memref_slice %arg8[%dma_wait3A_674, %dma_wait3A_681] : memref<8x128xi32, #tpu.memory_space<vmem>> -> memref<1x128xi32, #tpu.memory_space<vmem>>
      %dma_wait3A_683 = tpu.memref_squeeze %dma_wait3A_682 : memref<1x128xi32, #tpu.memory_space<vmem>> -> memref<128xi32, #tpu.memory_space<vmem>>
      %dma_wait3A_684 = arith.constant 0 : i32
      %dma_wait3A_685 = arith.constant 0 : i32
      %dma_wait3A_686 = tpu.memref_slice %arg2[%dma_wait3A_684, %dma_wait3A_685] : memref<80000x128xf32, #tpu.memory_space<hbm>> -> memref<80000x128xf32, #tpu.memory_space<hbm>>
      %dma_wait3A_687 = tpu.memref_slice %arg13[%dma_wait3A_676] : memref<2x!tpu.dma_semaphore, #tpu.memory_space<semaphore_mem>> -> memref<1x!tpu.dma_semaphore, #tpu.memory_space<semaphore_mem>>
      %dma_wait3A_688 = tpu.memref_squeeze %dma_wait3A_687 : memref<1x!tpu.dma_semaphore, #tpu.memory_space<semaphore_mem>> -> memref<!tpu.dma_semaphore, #tpu.memory_space<semaphore_mem>>
      tpu.wait_indirect_dma semaphore(%dma_wait3A_688 : memref<!tpu.dma_semaphore, #tpu.memory_space<semaphore_mem>>) src(%dma_wait3A_686 : memref<80000x128xf32, #tpu.memory_space<hbm>>) dst(%dma_wait3A_680 : memref<128x128xf32, #tpu.memory_space<vmem>>)
      %run_scoped3A_689 = arith.constant 0 : i32
      %run_scoped3A_690 = arith.constant 6 : i32
      "tpu.region"() ({
        %run_scoped3A_728 = tpu.sem_alloc : memref<!tpu.dma_semaphore, #tpu.memory_space<semaphore_mem>>
        %dma_start3A_729 = arith.constant 0 : i32
        %dma_start3A_730 = arith.constant 0 : i32
        %dma_start3A_731 = tpu.memref_slice %arg11[%run_scoped3A_689, %dma_start3A_729, %dma_start3A_730] : memref<2x128x128xf32, #tpu.memory_space<vmem>> -> memref<1x128x128xf32, #tpu.memory_space<vmem>>
        %dma_start3A_732 = tpu.memref_squeeze %dma_start3A_731 : memref<1x128x128xf32, #tpu.memory_space<vmem>> -> memref<128x128xf32, #tpu.memory_space<vmem>>
        %dma_start3A_733 = arith.constant 0 : i32
        %dma_start3A_734 = tpu.memref_slice %arg10[%run_scoped3A_690, %dma_start3A_733] : memref<8x128xi32, #tpu.memory_space<vmem>> -> memref<1x128xi32, #tpu.memory_space<vmem>>
        %dma_start3A_735 = tpu.memref_squeeze %dma_start3A_734 : memref<1x128xi32, #tpu.memory_space<vmem>> -> memref<128xi32, #tpu.memory_space<vmem>>
        %dma_start3A_736 = arith.constant 0 : i32
        %dma_start3A_737 = arith.constant 0 : i32
        %dma_start3A_738 = tpu.memref_slice %arg12[%dma_start3A_736, %dma_start3A_737] : memref<10240x128xf32, #tpu.memory_space<vmem_shared>> -> memref<10240x128xf32, #tpu.memory_space<vmem_shared>>
        tpu.enqueue_indirect_dma source(%dma_start3A_732 : memref<128x128xf32, #tpu.memory_space<vmem>>) target(%dma_start3A_738 : memref<10240x128xf32, #tpu.memory_space<vmem_shared>>) offsets(%dma_start3A_735 : memref<128xi32, #tpu.memory_space<vmem>>) semaphore(%run_scoped3A_728 : memref<!tpu.dma_semaphore, #tpu.memory_space<semaphore_mem>>) {add = true}
        %dma_wait3A_739 = arith.constant 0 : i32
        %dma_wait3A_740 = arith.constant 0 : i32
        %dma_wait3A_741 = tpu.memref_slice %arg11[%run_scoped3A_689, %dma_wait3A_739, %dma_wait3A_740] : memref<2x128x128xf32, #tpu.memory_space<vmem>> -> memref<1x128x128xf32, #tpu.memory_space<vmem>>
        %dma_wait3A_742 = tpu.memref_squeeze %dma_wait3A_741 : memref<1x128x128xf32, #tpu.memory_space<vmem>> -> memref<128x128xf32, #tpu.memory_space<vmem>>
        %dma_wait3A_743 = arith.constant 0 : i32
        %dma_wait3A_744 = tpu.memref_slice %arg10[%run_scoped3A_690, %dma_wait3A_743] : memref<8x128xi32, #tpu.memory_space<vmem>> -> memref<1x128xi32, #tpu.memory_space<vmem>>
        %dma_wait3A_745 = tpu.memref_squeeze %dma_wait3A_744 : memref<1x128xi32, #tpu.memory_space<vmem>> -> memref<128xi32, #tpu.memory_space<vmem>>
        %dma_wait3A_746 = arith.constant 0 : i32
        %dma_wait3A_747 = arith.constant 0 : i32
        %dma_wait3A_748 = tpu.memref_slice %arg12[%dma_wait3A_746, %dma_wait3A_747] : memref<10240x128xf32, #tpu.memory_space<vmem_shared>> -> memref<10240x128xf32, #tpu.memory_space<vmem_shared>>
        tpu.wait_indirect_dma semaphore(%run_scoped3A_728 : memref<!tpu.dma_semaphore, #tpu.memory_space<semaphore_mem>>) src(%dma_wait3A_742 : memref<128x128xf32, #tpu.memory_space<vmem>>) dst(%dma_wait3A_748 : memref<10240x128xf32, #tpu.memory_space<vmem_shared>>)
        tpu.yield
      }) : () -> ()
      %add3A_691 = arith.constant 2 : i32
      %add3A_692 = arith.addi %add3A_673, %add3A_691 : i32
      %lt3A_693 = arith.constant 80 : i32
      %lt3A_694 = arith.cmpi slt, %add3A_692, %lt3A_693 : i32
      %convert_element_type3A_695 = arith.extui %lt3A_694 : i1 to i32
      %cond3A_696 = arith.constant 0 : i32
      %cond3A_697 = arith.cmpi ne, %convert_element_type3A_695, %cond3A_696 : i32
      scf.if %cond3A_697 {
        %add3A_728 = arith.constant 2 : i32
        %add3A_729 = arith.addi %add3A_106, %add3A_728 : i32
        %mul3A_730 = arith.constant 8 : i32
        %mul3A_731 = arith.muli %add3A_729, %mul3A_730 : i32
        %dma_wait3A_732 = arith.constant 0 : i32
        %dma_wait3A_733 = arith.constant 0 : i32
        %dma_wait3A_734 = tpu.memref_slice %arg3[%add3A, %mul3A_731, %dma_wait3A_733] : memref<32x80x128xi32, #tpu.memory_space<hbm>> -> memref<1x8x128xi32, #tpu.memory_space<hbm>>
        %dma_wait3A_735 = tpu.memref_squeeze %dma_wait3A_734 : memref<1x8x128xi32, #tpu.memory_space<hbm>> -> memref<8x128xi32, #tpu.memory_space<hbm>>
        %dma_wait3A_736 = tpu.memref_slice %arg14[%dma_wait3A_732] : memref<2x!tpu.dma_semaphore, #tpu.memory_space<semaphore_mem>> -> memref<1x!tpu.dma_semaphore, #tpu.memory_space<semaphore_mem>>
        %dma_wait3A_737 = tpu.memref_squeeze %dma_wait3A_736 : memref<1x!tpu.dma_semaphore, #tpu.memory_space<semaphore_mem>> -> memref<!tpu.dma_semaphore, #tpu.memory_space<semaphore_mem>>
        %dma_wait3A_738 = arith.constant 0 : i32
        %dma_wait3A_739 = tpu.memref_slice %arg3[%add3A, %mul3A_731, %dma_wait3A_738] : memref<32x80x128xi32, #tpu.memory_space<hbm>> -> memref<1x8x128xi32, #tpu.memory_space<hbm>>
        %dma_wait3A_740 = tpu.memref_squeeze %dma_wait3A_739 : memref<1x8x128xi32, #tpu.memory_space<hbm>> -> memref<8x128xi32, #tpu.memory_space<hbm>>
        tpu.wait_dma2 semaphore(%dma_wait3A_737 : memref<!tpu.dma_semaphore, #tpu.memory_space<semaphore_mem>>) src(%dma_wait3A_740 : memref<8x128xi32, #tpu.memory_space<hbm>>) dst(%arg7 : memref<8x128xi32, #tpu.memory_space<vmem>>)
        %dma_wait3A_741 = arith.constant 0 : i32
        %dma_wait3A_742 = arith.constant 0 : i32
        %dma_wait3A_743 = tpu.memref_slice %arg4[%add3A, %mul3A_731, %dma_wait3A_742] : memref<32x80x128xi32, #tpu.memory_space<hbm>> -> memref<1x8x128xi32, #tpu.memory_space<hbm>>
        %dma_wait3A_744 = tpu.memref_squeeze %dma_wait3A_743 : memref<1x8x128xi32, #tpu.memory_space<hbm>> -> memref<8x128xi32, #tpu.memory_space<hbm>>
        %dma_wait3A_745 = tpu.memref_slice %arg14[%dma_wait3A_741] : memref<2x!tpu.dma_semaphore, #tpu.memory_space<semaphore_mem>> -> memref<1x!tpu.dma_semaphore, #tpu.memory_space<semaphore_mem>>
        %dma_wait3A_746 = tpu.memref_squeeze %dma_wait3A_745 : memref<1x!tpu.dma_semaphore, #tpu.memory_space<semaphore_mem>> -> memref<!tpu.dma_semaphore, #tpu.memory_space<semaphore_mem>>
        %dma_wait3A_747 = arith.constant 0 : i32
        %dma_wait3A_748 = tpu.memref_slice %arg4[%add3A, %mul3A_731, %dma_wait3A_747] : memref<32x80x128xi32, #tpu.memory_space<hbm>> -> memref<1x8x128xi32, #tpu.memory_space<hbm>>
        %dma_wait3A_749 = tpu.memref_squeeze %dma_wait3A_748 : memref<1x8x128xi32, #tpu.memory_space<hbm>> -> memref<8x128xi32, #tpu.memory_space<hbm>>
        tpu.wait_dma2 semaphore(%dma_wait3A_746 : memref<!tpu.dma_semaphore, #tpu.memory_space<semaphore_mem>>) src(%dma_wait3A_749 : memref<8x128xi32, #tpu.memory_space<hbm>>) dst(%arg9 : memref<8x128xi32, #tpu.memory_space<vmem>>)
        %dma_start3A_750 = arith.constant 0 : i32
        %dma_start3A_751 = arith.constant 0 : i32
        %dma_start3A_752 = arith.constant 0 : i32
        %dma_start3A_753 = arith.constant 0 : i32
        %dma_start3A_754 = arith.constant 0 : i32
        %dma_start3A_755 = tpu.memref_slice %arg11[%dma_start3A_751, %dma_start3A_753, %dma_start3A_754] : memref<2x128x128xf32, #tpu.memory_space<vmem>> -> memref<1x128x128xf32, #tpu.memory_space<vmem>>
        %dma_start3A_756 = tpu.memref_squeeze %dma_start3A_755 : memref<1x128x128xf32, #tpu.memory_space<vmem>> -> memref<128x128xf32, #tpu.memory_space<vmem>>
        %dma_start3A_757 = arith.constant 0 : i32
        %dma_start3A_758 = tpu.memref_slice %arg7[%dma_start3A_750, %dma_start3A_757] : memref<8x128xi32, #tpu.memory_space<vmem>> -> memref<1x128xi32, #tpu.memory_space<vmem>>
        %dma_start3A_759 = tpu.memref_squeeze %dma_start3A_758 : memref<1x128xi32, #tpu.memory_space<vmem>> -> memref<128xi32, #tpu.memory_space<vmem>>
        %dma_start3A_760 = arith.constant 0 : i32
        %dma_start3A_761 = arith.constant 0 : i32
        %dma_start3A_762 = tpu.memref_slice %arg2[%dma_start3A_760, %dma_start3A_761] : memref<80000x128xf32, #tpu.memory_space<hbm>> -> memref<80000x128xf32, #tpu.memory_space<hbm>>
        %dma_start3A_763 = tpu.memref_slice %arg13[%dma_start3A_752] : memref<2x!tpu.dma_semaphore, #tpu.memory_space<semaphore_mem>> -> memref<1x!tpu.dma_semaphore, #tpu.memory_space<semaphore_mem>>
        %dma_start3A_764 = tpu.memref_squeeze %dma_start3A_763 : memref<1x!tpu.dma_semaphore, #tpu.memory_space<semaphore_mem>> -> memref<!tpu.dma_semaphore, #tpu.memory_space<semaphore_mem>>
        tpu.enqueue_indirect_dma source(%dma_start3A_762 : memref<80000x128xf32, #tpu.memory_space<hbm>>) target(%dma_start3A_756 : memref<128x128xf32, #tpu.memory_space<vmem>>) offsets(%dma_start3A_759 : memref<128xi32, #tpu.memory_space<vmem>>) semaphore(%dma_start3A_764 : memref<!tpu.dma_semaphore, #tpu.memory_space<semaphore_mem>>)
      } else {
      }
      %add3A_698 = arith.constant 1 : i32
      %add3A_699 = arith.addi %add3A_106, %add3A_698 : i32
      %mul3A_700 = arith.constant 8 : i32
      %mul3A_701 = arith.muli %add3A_699, %mul3A_700 : i32
      %add3A_702 = arith.constant 7 : i32
      %add3A_703 = arith.addi %mul3A_701, %add3A_702 : i32
      %dma_wait3A_704 = arith.constant 7 : i32
      %dma_wait3A_705 = arith.constant 1 : i32
      %dma_wait3A_706 = arith.constant 1 : i32
      %dma_wait3A_707 = arith.constant 0 : i32
      %dma_wait3A_708 = arith.constant 0 : i32
      %dma_wait3A_709 = tpu.memref_slice %arg11[%dma_wait3A_705, %dma_wait3A_707, %dma_wait3A_708] : memref<2x128x128xf32, #tpu.memory_space<vmem>> -> memref<1x128x128xf32, #tpu.memory_space<vmem>>
      %dma_wait3A_710 = tpu.memref_squeeze %dma_wait3A_709 : memref<1x128x128xf32, #tpu.memory_space<vmem>> -> memref<128x128xf32, #tpu.memory_space<vmem>>
      %dma_wait3A_711 = arith.constant 0 : i32
      %dma_wait3A_712 = tpu.memref_slice %arg8[%dma_wait3A_704, %dma_wait3A_711] : memref<8x128xi32, #tpu.memory_space<vmem>> -> memref<1x128xi32, #tpu.memory_space<vmem>>
      %dma_wait3A_713 = tpu.memref_squeeze %dma_wait3A_712 : memref<1x128xi32, #tpu.memory_space<vmem>> -> memref<128xi32, #tpu.memory_space<vmem>>
      %dma_wait3A_714 = arith.constant 0 : i32
      %dma_wait3A_715 = arith.constant 0 : i32
      %dma_wait3A_716 = tpu.memref_slice %arg2[%dma_wait3A_714, %dma_wait3A_715] : memref<80000x128xf32, #tpu.memory_space<hbm>> -> memref<80000x128xf32, #tpu.memory_space<hbm>>
      %dma_wait3A_717 = tpu.memref_slice %arg13[%dma_wait3A_706] : memref<2x!tpu.dma_semaphore, #tpu.memory_space<semaphore_mem>> -> memref<1x!tpu.dma_semaphore, #tpu.memory_space<semaphore_mem>>
      %dma_wait3A_718 = tpu.memref_squeeze %dma_wait3A_717 : memref<1x!tpu.dma_semaphore, #tpu.memory_space<semaphore_mem>> -> memref<!tpu.dma_semaphore, #tpu.memory_space<semaphore_mem>>
      tpu.wait_indirect_dma semaphore(%dma_wait3A_718 : memref<!tpu.dma_semaphore, #tpu.memory_space<semaphore_mem>>) src(%dma_wait3A_716 : memref<80000x128xf32, #tpu.memory_space<hbm>>) dst(%dma_wait3A_710 : memref<128x128xf32, #tpu.memory_space<vmem>>)
      %run_scoped3A_719 = arith.constant 1 : i32
      %run_scoped3A_720 = arith.constant 7 : i32
      "tpu.region"() ({
        %run_scoped3A_728 = tpu.sem_alloc : memref<!tpu.dma_semaphore, #tpu.memory_space<semaphore_mem>>
        %dma_start3A_729 = arith.constant 0 : i32
        %dma_start3A_730 = arith.constant 0 : i32
        %dma_start3A_731 = tpu.memref_slice %arg11[%run_scoped3A_719, %dma_start3A_729, %dma_start3A_730] : memref<2x128x128xf32, #tpu.memory_space<vmem>> -> memref<1x128x128xf32, #tpu.memory_space<vmem>>
        %dma_start3A_732 = tpu.memref_squeeze %dma_start3A_731 : memref<1x128x128xf32, #tpu.memory_space<vmem>> -> memref<128x128xf32, #tpu.memory_space<vmem>>
        %dma_start3A_733 = arith.constant 0 : i32
        %dma_start3A_734 = tpu.memref_slice %arg10[%run_scoped3A_720, %dma_start3A_733] : memref<8x128xi32, #tpu.memory_space<vmem>> -> memref<1x128xi32, #tpu.memory_space<vmem>>
        %dma_start3A_735 = tpu.memref_squeeze %dma_start3A_734 : memref<1x128xi32, #tpu.memory_space<vmem>> -> memref<128xi32, #tpu.memory_space<vmem>>
        %dma_start3A_736 = arith.constant 0 : i32
        %dma_start3A_737 = arith.constant 0 : i32
        %dma_start3A_738 = tpu.memref_slice %arg12[%dma_start3A_736, %dma_start3A_737] : memref<10240x128xf32, #tpu.memory_space<vmem_shared>> -> memref<10240x128xf32, #tpu.memory_space<vmem_shared>>
        tpu.enqueue_indirect_dma source(%dma_start3A_732 : memref<128x128xf32, #tpu.memory_space<vmem>>) target(%dma_start3A_738 : memref<10240x128xf32, #tpu.memory_space<vmem_shared>>) offsets(%dma_start3A_735 : memref<128xi32, #tpu.memory_space<vmem>>) semaphore(%run_scoped3A_728 : memref<!tpu.dma_semaphore, #tpu.memory_space<semaphore_mem>>) {add = true}
        %dma_wait3A_739 = arith.constant 0 : i32
        %dma_wait3A_740 = arith.constant 0 : i32
        %dma_wait3A_741 = tpu.memref_slice %arg11[%run_scoped3A_719, %dma_wait3A_739, %dma_wait3A_740] : memref<2x128x128xf32, #tpu.memory_space<vmem>> -> memref<1x128x128xf32, #tpu.memory_space<vmem>>
        %dma_wait3A_742 = tpu.memref_squeeze %dma_wait3A_741 : memref<1x128x128xf32, #tpu.memory_space<vmem>> -> memref<128x128xf32, #tpu.memory_space<vmem>>
        %dma_wait3A_743 = arith.constant 0 : i32
        %dma_wait3A_744 = tpu.memref_slice %arg10[%run_scoped3A_720, %dma_wait3A_743] : memref<8x128xi32, #tpu.memory_space<vmem>> -> memref<1x128xi32, #tpu.memory_space<vmem>>
        %dma_wait3A_745 = tpu.memref_squeeze %dma_wait3A_744 : memref<1x128xi32, #tpu.memory_space<vmem>> -> memref<128xi32, #tpu.memory_space<vmem>>
        %dma_wait3A_746 = arith.constant 0 : i32
        %dma_wait3A_747 = arith.constant 0 : i32
        %dma_wait3A_748 = tpu.memref_slice %arg12[%dma_wait3A_746, %dma_wait3A_747] : memref<10240x128xf32, #tpu.memory_space<vmem_shared>> -> memref<10240x128xf32, #tpu.memory_space<vmem_shared>>
        tpu.wait_indirect_dma semaphore(%run_scoped3A_728 : memref<!tpu.dma_semaphore, #tpu.memory_space<semaphore_mem>>) src(%dma_wait3A_742 : memref<128x128xf32, #tpu.memory_space<vmem>>) dst(%dma_wait3A_748 : memref<10240x128xf32, #tpu.memory_space<vmem_shared>>)
        tpu.yield
      }) : () -> ()
      %add3A_721 = arith.constant 2 : i32
      %add3A_722 = arith.addi %add3A_703, %add3A_721 : i32
      %lt3A_723 = arith.constant 80 : i32
      %lt3A_724 = arith.cmpi slt, %add3A_722, %lt3A_723 : i32
      %convert_element_type3A_725 = arith.extui %lt3A_724 : i1 to i32
      %cond3A_726 = arith.constant 0 : i32
      %cond3A_727 = arith.cmpi ne, %convert_element_type3A_725, %cond3A_726 : i32
      scf.if %cond3A_727 {
        %dma_start3A_728 = arith.constant 1 : i32
        %dma_start3A_729 = arith.constant 1 : i32
        %dma_start3A_730 = arith.constant 1 : i32
        %dma_start3A_731 = arith.constant 0 : i32
        %dma_start3A_732 = arith.constant 0 : i32
        %dma_start3A_733 = tpu.memref_slice %arg11[%dma_start3A_729, %dma_start3A_731, %dma_start3A_732] : memref<2x128x128xf32, #tpu.memory_space<vmem>> -> memref<1x128x128xf32, #tpu.memory_space<vmem>>
        %dma_start3A_734 = tpu.memref_squeeze %dma_start3A_733 : memref<1x128x128xf32, #tpu.memory_space<vmem>> -> memref<128x128xf32, #tpu.memory_space<vmem>>
        %dma_start3A_735 = arith.constant 0 : i32
        %dma_start3A_736 = tpu.memref_slice %arg7[%dma_start3A_728, %dma_start3A_735] : memref<8x128xi32, #tpu.memory_space<vmem>> -> memref<1x128xi32, #tpu.memory_space<vmem>>
        %dma_start3A_737 = tpu.memref_squeeze %dma_start3A_736 : memref<1x128xi32, #tpu.memory_space<vmem>> -> memref<128xi32, #tpu.memory_space<vmem>>
        %dma_start3A_738 = arith.constant 0 : i32
        %dma_start3A_739 = arith.constant 0 : i32
        %dma_start3A_740 = tpu.memref_slice %arg2[%dma_start3A_738, %dma_start3A_739] : memref<80000x128xf32, #tpu.memory_space<hbm>> -> memref<80000x128xf32, #tpu.memory_space<hbm>>
        %dma_start3A_741 = tpu.memref_slice %arg13[%dma_start3A_730] : memref<2x!tpu.dma_semaphore, #tpu.memory_space<semaphore_mem>> -> memref<1x!tpu.dma_semaphore, #tpu.memory_space<semaphore_mem>>
        %dma_start3A_742 = tpu.memref_squeeze %dma_start3A_741 : memref<1x!tpu.dma_semaphore, #tpu.memory_space<semaphore_mem>> -> memref<!tpu.dma_semaphore, #tpu.memory_space<semaphore_mem>>
        tpu.enqueue_indirect_dma source(%dma_start3A_740 : memref<80000x128xf32, #tpu.memory_space<hbm>>) target(%dma_start3A_734 : memref<128x128xf32, #tpu.memory_space<vmem>>) offsets(%dma_start3A_737 : memref<128xi32, #tpu.memory_space<vmem>>) semaphore(%dma_start3A_742 : memref<!tpu.dma_semaphore, #tpu.memory_space<semaphore_mem>>)
      } else {
      }
    }
    %scan3A_100 = arith.constant 5 : i32
    %barrier3A_101 = arith.constant 0 : index
    tpu.barrier barrier_id(%barrier3A_101)
    "tpu.region"() ({
      %run_scoped3A = tpu.sem_alloc : memref<!tpu.dma_semaphore, #tpu.memory_space<semaphore_mem>>
      %dma_start3A_102 = arith.constant 0 : i32
      %dma_start3A_103 = tpu.memref_slice %arg6[%arg0, %mul3A_2, %dma_start3A_102] : memref<2x10240x128xf32, #tpu.memory_space<hbm>> -> memref<1x640x128xf32, #tpu.memory_space<hbm>>
      %dma_start3A_104 = tpu.memref_squeeze %dma_start3A_103 : memref<1x640x128xf32, #tpu.memory_space<hbm>> -> memref<640x128xf32, #tpu.memory_space<hbm>>
      %dma_start3A_105 = arith.constant 0 : i32
      %dma_start3A_106 = tpu.memref_slice %arg12[%mul3A_2, %dma_start3A_105] : memref<10240x128xf32, #tpu.memory_space<vmem_shared>> -> memref<640x128xf32, #tpu.memory_space<vmem_shared>>
      tpu.enqueue_dma source(%dma_start3A_106 : memref<640x128xf32, #tpu.memory_space<vmem_shared>>) target(%dma_start3A_104 : memref<640x128xf32, #tpu.memory_space<hbm>>) target_semaphore(%run_scoped3A : memref<!tpu.dma_semaphore, #tpu.memory_space<semaphore_mem>>)
      %dma_wait3A_107 = arith.constant 0 : i32
      %dma_wait3A_108 = tpu.memref_slice %arg6[%arg0, %mul3A_2, %dma_wait3A_107] : memref<2x10240x128xf32, #tpu.memory_space<hbm>> -> memref<1x640x128xf32, #tpu.memory_space<hbm>>
      %dma_wait3A_109 = tpu.memref_squeeze %dma_wait3A_108 : memref<1x640x128xf32, #tpu.memory_space<hbm>> -> memref<640x128xf32, #tpu.memory_space<hbm>>
      %dma_wait3A_110 = arith.constant 0 : i32
      %dma_wait3A_111 = tpu.memref_slice %arg12[%mul3A_2, %dma_wait3A_110] : memref<10240x128xf32, #tpu.memory_space<vmem_shared>> -> memref<640x128xf32, #tpu.memory_space<vmem_shared>>
      tpu.wait_dma2 semaphore(%run_scoped3A : memref<!tpu.dma_semaphore, #tpu.memory_space<semaphore_mem>>) src(%dma_wait3A_111 : memref<640x128xf32, #tpu.memory_space<vmem_shared>>) dst(%dma_wait3A_109 : memref<640x128xf32, #tpu.memory_space<hbm>>)
      tpu.yield
    }) : () -> ()
    return
  }
}

module attributes {stable_mosaic.version = 14 : i64} {
  func.func @_table_block(%arg0: i32, %arg1: memref<10000x128xf32, #tpu.memory_space<vmem>>, %arg2: memref<128x128xf32, #tpu.memory_space<vmem>>, %arg3: memref<10000x128xf32, #tpu.memory_space<vmem>>) attributes {dimension_semantics = [#tpu.dimension_semantics<arbitrary>], iteration_bounds = array<i64: 8>, scalar_prefetch = 0 : i64, scratch_operands = 0 : i64, tpu.core_type = #tpu.core_type<tc>, window_params = [{pipeline_mode = #tpu.pipeline_mode<synchronous>, transform_indices = @transform_0, window_bounds = array<i64: 10000, 128>}, {transform_indices = @transform_1, window_bounds = array<i64: 128, 128>}, {transform_indices = @transform_2, window_bounds = array<i64: 10000, 128>}]} {
    %get3A = arith.constant 0 : index
    %get3A_0 = arith.constant 0 : index
    %get3A_1 = vector.load %arg1[%get3A, %get3A_0] : memref<10000x128xf32, #tpu.memory_space<vmem>>, vector<10000x128xf32>
    %get3A_2 = arith.constant 0 : index
    %get3A_3 = arith.constant 0 : index
    %get3A_4 = vector.load %arg2[%get3A_2, %get3A_3] : memref<128x128xf32, #tpu.memory_space<vmem>>, vector<128x128xf32>
    %dot_general3A = arith.constant dense<0.000000e+00> : vector<10000x128xf32>
    %dot_general3A_5 = tpu.matmul %get3A_1, %get3A_4, %dot_general3A {dimension_numbers = #tpu.dot_dimension_numbers<[1], [0], [0], [1], [0, 0, 1, 1], [], []>, transpose_lhs_hint = false} : vector<10000x128xf32>, vector<128x128xf32>, vector<10000x128xf32> -> vector<10000x128xf32>
    %swap3A = arith.constant 0 : index
    %swap3A_6 = arith.constant 0 : index
    %swap3A_7 = vector.load %arg3[%swap3A, %swap3A_6] : memref<10000x128xf32, #tpu.memory_space<vmem>>, vector<10000x128xf32>
    tpu.vector_store %arg3[%swap3A, %swap3A_6], %dot_general3A_5 {strides = array<i32>} : memref<10000x128xf32, #tpu.memory_space<vmem>>, vector<10000x128xf32>,
    return
  }
  func.func @transform_0(%arg0: i32) -> (i32, i32) {
    %c0_i32 = arith.constant 0 : i32
    %c0_i32_0 = arith.constant 0 : i32
    %c0_i32_1 = arith.constant 0 : i32
    return %c0_i32, %c0_i32_0 : i32, i32
  }
  func.func @transform_1(%arg0: i32) -> (i32, i32) {
    %c0_i32 = arith.constant 0 : i32
    %c0_i32_0 = arith.constant 0 : i32
    return %arg0, %c0_i32 : i32, i32
  }
  func.func @transform_2(%arg0: i32) -> (i32, i32) {
    %c0_i32 = arith.constant 0 : i32
    %c0_i32_0 = arith.constant 0 : i32
    return %arg0, %c0_i32 : i32, i32
  }
}

module attributes {stable_mosaic.version = 14 : i64} {
  func.func @_comb_block(%arg0: i32, %arg1: memref<1x2500x128xi32, #tpu.memory_space<vmem>>, %arg2: memref<1x2500x128xi32, #tpu.memory_space<vmem>>, %arg3: memref<2500x128xi32, #tpu.memory_space<vmem>>, %arg4: memref<2560x128xi32, #tpu.memory_space<vmem>>, %arg5: memref<2560x128xi32, #tpu.memory_space<vmem>>) attributes {dimension_semantics = [#tpu.dimension_semantics<arbitrary>], iteration_bounds = array<i64: 1>, scalar_prefetch = 0 : i64, scratch_operands = 0 : i64, tpu.core_type = #tpu.core_type<tc>, window_params = [{transform_indices = @transform_0, window_bounds = array<i64: 1, 2500, 128>}, {transform_indices = @transform_1, window_bounds = array<i64: 1, 2500, 128>}, {pipeline_mode = #tpu.pipeline_mode<synchronous>, transform_indices = @transform_2, window_bounds = array<i64: 2500, 128>}, {pipeline_mode = #tpu.pipeline_mode<synchronous>, transform_indices = @transform_3, window_bounds = array<i64: 2560, 128>}, {pipeline_mode = #tpu.pipeline_mode<synchronous>, transform_indices = @transform_4, window_bounds = array<i64: 2560, 128>}]} {
    %get3A = arith.constant 0 : index
    %get3A_0 = arith.constant 0 : index
    %get3A_1 = arith.constant 0 : index
    %get3A_2 = vector.load %arg1[%get3A, %get3A_0, %get3A_1] : memref<1x2500x128xi32, #tpu.memory_space<vmem>>, vector<1x2500x128xi32>
    %get3A_3 = vector.shape_cast %get3A_2 : vector<1x2500x128xi32> to vector<2500x128xi32>
    %get3A_4 = arith.constant 0 : index
    %get3A_5 = arith.constant 0 : index
    %get3A_6 = arith.constant 0 : index
    %get3A_7 = vector.load %arg2[%get3A_4, %get3A_5, %get3A_6] : memref<1x2500x128xi32, #tpu.memory_space<vmem>>, vector<1x2500x128xi32>
    %get3A_8 = vector.shape_cast %get3A_7 : vector<1x2500x128xi32> to vector<2500x128xi32>
    %get3A_9 = arith.constant 0 : index
    %get3A_10 = arith.constant 0 : index
    %get3A_11 = vector.load %arg3[%get3A_9, %get3A_10] : memref<2500x128xi32, #tpu.memory_space<vmem>>, vector<2500x128xi32>
    %mul3A = arith.constant 10000 : i32
    %mul3A_12 = vector.broadcast %mul3A : i32 to vector<2500x128xi32>
    %mul3A_13 = arith.muli %get3A_11, %mul3A_12 : vector<2500x128xi32>
    %add3A = arith.addi %mul3A_13, %get3A_3 : vector<2500x128xi32>
    %swap3A = arith.constant 0 : index
    %swap3A_14 = arith.constant 0 : index
    %swap3A_15 = vector.load %arg4[%swap3A, %swap3A_14] : memref<2560x128xi32, #tpu.memory_space<vmem>>, vector<2500x128xi32>
    tpu.vector_store %arg4[%swap3A, %swap3A_14], %add3A {strides = array<i32>} : memref<2560x128xi32, #tpu.memory_space<vmem>>, vector<2500x128xi32>,
    %swap3A_16 = arith.constant 0 : index
    %swap3A_17 = arith.constant 0 : index
    %swap3A_18 = vector.load %arg5[%swap3A_16, %swap3A_17] : memref<2560x128xi32, #tpu.memory_space<vmem>>, vector<2500x128xi32>
    tpu.vector_store %arg5[%swap3A_16, %swap3A_17], %get3A_8 {strides = array<i32>} : memref<2560x128xi32, #tpu.memory_space<vmem>>, vector<2500x128xi32>,
    %iota3A = tpu.iota {dimensions = array<i32: 0>} : vector<60x128xi32>
    %mul3A_19 = arith.constant 128 : i32
    %mul3A_20 = vector.broadcast %mul3A_19 : i32 to vector<60x128xi32>
    %mul3A_21 = arith.muli %iota3A, %mul3A_20 : vector<60x128xi32>
    %iota3A_22 = tpu.iota {dimensions = array<i32: 1>} : vector<60x128xi32>
    %add3A_23 = arith.addi %mul3A_21, %iota3A_22 : vector<60x128xi32>
    %swap3A_24 = arith.constant 2500 : index
    %swap3A_25 = arith.constant 0 : index
    %swap3A_26 = vector.load %arg4[%swap3A_24, %swap3A_25] : memref<2560x128xi32, #tpu.memory_space<vmem>>, vector<60x128xi32>
    tpu.vector_store %arg4[%swap3A_24, %swap3A_25], %add3A_23 {strides = array<i32>} : memref<2560x128xi32, #tpu.memory_space<vmem>>, vector<60x128xi32>,
    %jit3A = arith.constant 240 : i32
    %eq3A = arith.constant 0 : i32
    %eq3A_27 = arith.cmpi eq, %jit3A, %eq3A : i32
    %jit3A_28 = arith.constant 1 : i32
    %select_n3A = arith.select %eq3A_27, %jit3A_28, %jit3A : i32
    %rem3A = vector.broadcast %select_n3A : i32 to vector<60x128xi32>
    %rem3A_29 = arith.remsi %add3A_23, %rem3A : vector<60x128xi32>
    %ne3A = arith.constant 0 : i32
    %ne3A_30 = vector.broadcast %ne3A : i32 to vector<60x128xi32>
    %ne3A_31 = arith.cmpi ne, %rem3A_29, %ne3A_30 : vector<60x128xi32>
    %lt3A = arith.constant 0 : i32
    %lt3A_32 = vector.broadcast %lt3A : i32 to vector<60x128xi32>
    %lt3A_33 = arith.cmpi slt, %rem3A_29, %lt3A_32 : vector<60x128xi32>
    %lt3A_34 = arith.constant 0 : i32
    %lt3A_35 = arith.cmpi slt, %select_n3A, %lt3A_34 : i32
    %ne3A_36 = vector.broadcast %lt3A_35 : i1 to vector<60x128xi1>
    %ne3A_37 = vector.broadcast %ne3A_36 : vector<60x128xi1> to vector<60x128xi1>
    %ne3A_38 = arith.xori %lt3A_33, %ne3A_37 : vector<60x128xi1>
    %and3A = arith.andi %ne3A_38, %ne3A_31 : vector<60x128xi1>
    %add3A_39 = vector.broadcast %select_n3A : i32 to vector<60x128xi32>
    %add3A_40 = arith.addi %rem3A_29, %add3A_39 : vector<60x128xi32>
    %select_n3A_41 = arith.select %and3A, %add3A_40, %rem3A_29 : vector<60x128xi1>, vector<60x128xi32>
    %add3A_42 = arith.constant 10000 : i32
    %add3A_43 = vector.broadcast %add3A_42 : i32 to vector<60x128xi32>
    %add3A_44 = arith.addi %add3A_43, %select_n3A_41 : vector<60x128xi32>
    %swap3A_45 = arith.constant 2500 : index
    %swap3A_46 = arith.constant 0 : index
    %swap3A_47 = vector.load %arg5[%swap3A_45, %swap3A_46] : memref<2560x128xi32, #tpu.memory_space<vmem>>, vector<60x128xi32>
    tpu.vector_store %arg5[%swap3A_45, %swap3A_46], %add3A_44 {strides = array<i32>} : memref<2560x128xi32, #tpu.memory_space<vmem>>, vector<60x128xi32>,
    return
  }
  func.func @transform_0(%arg0: i32) -> (i32, i32, i32) {
    %c0_i32 = arith.constant 0 : i32
    %c0_i32_0 = arith.constant 0 : i32
    %c0_i32_1 = arith.constant 0 : i32
    %c0_i32_2 = arith.constant 0 : i32
    return %c0_i32, %c0_i32_0, %c0_i32_1 : i32, i32, i32
  }
  func.func @transform_1(%arg0: i32) -> (i32, i32, i32) {
    %c1_i32 = arith.constant 1 : i32
    %c0_i32 = arith.constant 0 : i32
    %c0_i32_0 = arith.constant 0 : i32
    %c0_i32_1 = arith.constant 0 : i32
    return %c1_i32, %c0_i32, %c0_i32_0 : i32, i32, i32
  }
  func.func @transform_2(%arg0: i32) -> (i32, i32) {
    %c0_i32 = arith.constant 0 : i32
    %c0_i32_0 = arith.constant 0 : i32
    %c0_i32_1 = arith.constant 0 : i32
    return %c0_i32, %c0_i32_0 : i32, i32
  }
  func.func @transform_3(%arg0: i32) -> (i32, i32) {
    %c0_i32 = arith.constant 0 : i32
    %c0_i32_0 = arith.constant 0 : i32
    %c0_i32_1 = arith.constant 0 : i32
    return %c0_i32, %c0_i32_0 : i32, i32
  }
  func.func @transform_4(%arg0: i32) -> (i32, i32) {
    %c0_i32 = arith.constant 0 : i32
    %c0_i32_0 = arith.constant 0 : i32
    %c0_i32_1 = arith.constant 0 : i32
    return %c0_i32, %c0_i32_0 : i32, i32
  }
}

module attributes {stable_mosaic.version = 14 : i64} {
  func.func @_pre_block(%arg0: i32, %arg1: memref<2000x128xf32, #tpu.memory_space<vmem>>, %arg2: memref<128x128xf32, #tpu.memory_space<vmem>>, %arg3: memref<1x128xf32, #tpu.memory_space<vmem>>, %arg4: memref<128x256xf32, #tpu.memory_space<vmem>>, %arg5: memref<1x256xf32, #tpu.memory_space<vmem>>, %arg6: memref<128x128xf32, #tpu.memory_space<vmem>>, %arg7: memref<1x128xf32, #tpu.memory_space<vmem>>, %arg8: memref<2000x128xf32, #tpu.memory_space<vmem>>, %arg9: memref<2000x256xf32, #tpu.memory_space<vmem>>, %arg10: memref<2000x128xf32, #tpu.memory_space<vmem>>) attributes {dimension_semantics = [#tpu.dimension_semantics<arbitrary>], iteration_bounds = array<i64: 5>, scalar_prefetch = 0 : i64, scratch_operands = 0 : i64, tpu.core_type = #tpu.core_type<tc>, window_params = [{transform_indices = @transform_0, window_bounds = array<i64: 2000, 128>}, {pipeline_mode = #tpu.pipeline_mode<synchronous>, transform_indices = @transform_1, window_bounds = array<i64: 128, 128>}, {pipeline_mode = #tpu.pipeline_mode<synchronous>, transform_indices = @transform_2, window_bounds = array<i64: 1, 128>}, {pipeline_mode = #tpu.pipeline_mode<synchronous>, transform_indices = @transform_3, window_bounds = array<i64: 128, 256>}, {pipeline_mode = #tpu.pipeline_mode<synchronous>, transform_indices = @transform_4, window_bounds = array<i64: 1, 256>}, {pipeline_mode = #tpu.pipeline_mode<synchronous>, transform_indices = @transform_5, window_bounds = array<i64: 128, 128>}, {pipeline_mode = #tpu.pipeline_mode<synchronous>, transform_indices = @transform_6, window_bounds = array<i64: 1, 128>}, {transform_indices = @transform_7, window_bounds = array<i64: 2000, 128>}, {transform_indices = @transform_8, window_bounds = array<i64: 2000, 256>}, {transform_indices = @transform_9, window_bounds = array<i64: 2000, 128>}]} {
    %get3A = arith.constant 0 : index
    %get3A_0 = arith.constant 0 : index
    %get3A_1 = vector.load %arg1[%get3A, %get3A_0] : memref<2000x128xf32, #tpu.memory_space<vmem>>, vector<2000x128xf32>
    %get3A_2 = arith.constant 0 : index
    %get3A_3 = arith.constant 0 : index
    %get3A_4 = vector.load %arg2[%get3A_2, %get3A_3] : memref<128x128xf32, #tpu.memory_space<vmem>>, vector<128x128xf32>
    %dot_general3A = arith.constant dense<0.000000e+00> : vector<2000x128xf32>
    %dot_general3A_5 = tpu.matmul %get3A_1, %get3A_4, %dot_general3A {dimension_numbers = #tpu.dot_dimension_numbers<[1], [0], [0], [1], [0, 0, 1, 1], [], []>, transpose_lhs_hint = false} : vector<2000x128xf32>, vector<128x128xf32>, vector<2000x128xf32> -> vector<2000x128xf32>
    %get3A_6 = arith.constant 0 : index
    %get3A_7 = arith.constant 0 : index
    %get3A_8 = vector.load %arg3[%get3A_6, %get3A_7] : memref<1x128xf32, #tpu.memory_space<vmem>>, vector<1x128xf32>
    %add3A = vector.broadcast %get3A_8 : vector<1x128xf32> to vector<2000x128xf32>
    %add3A_9 = arith.addf %dot_general3A_5, %add3A : vector<2000x128xf32>
    %swap3A = arith.constant 0 : index
    %swap3A_10 = arith.constant 0 : index
    %swap3A_11 = vector.load %arg8[%swap3A, %swap3A_10] : memref<2000x128xf32, #tpu.memory_space<vmem>>, vector<2000x128xf32>
    tpu.vector_store %arg8[%swap3A, %swap3A_10], %add3A_9 {strides = array<i32>} : memref<2000x128xf32, #tpu.memory_space<vmem>>, vector<2000x128xf32>,
    %get3A_12 = arith.constant 0 : index
    %get3A_13 = arith.constant 0 : index
    %get3A_14 = vector.load %arg4[%get3A_12, %get3A_13] : memref<128x256xf32, #tpu.memory_space<vmem>>, vector<128x256xf32>
    %dot_general3A_15 = arith.constant dense<0.000000e+00> : vector<2000x256xf32>
    %dot_general3A_16 = tpu.matmul %get3A_1, %get3A_14, %dot_general3A_15 {dimension_numbers = #tpu.dot_dimension_numbers<[1], [0], [0], [1], [0, 0, 1, 1], [], []>, transpose_lhs_hint = false} : vector<2000x128xf32>, vector<128x256xf32>, vector<2000x256xf32> -> vector<2000x256xf32>
    %get3A_17 = arith.constant 0 : index
    %get3A_18 = arith.constant 0 : index
    %get3A_19 = vector.load %arg5[%get3A_17, %get3A_18] : memref<1x256xf32, #tpu.memory_space<vmem>>, vector<1x256xf32>
    %add3A_20 = vector.broadcast %get3A_19 : vector<1x256xf32> to vector<2000x256xf32>
    %add3A_21 = arith.addf %dot_general3A_16, %add3A_20 : vector<2000x256xf32>
    %swap3A_22 = arith.constant 0 : index
    %swap3A_23 = arith.constant 0 : index
    %swap3A_24 = vector.load %arg9[%swap3A_22, %swap3A_23] : memref<2000x256xf32, #tpu.memory_space<vmem>>, vector<2000x256xf32>
    tpu.vector_store %arg9[%swap3A_22, %swap3A_23], %add3A_21 {strides = array<i32>} : memref<2000x256xf32, #tpu.memory_space<vmem>>, vector<2000x256xf32>,
    %get3A_25 = arith.constant 0 : index
    %get3A_26 = arith.constant 0 : index
    %get3A_27 = vector.load %arg6[%get3A_25, %get3A_26] : memref<128x128xf32, #tpu.memory_space<vmem>>, vector<128x128xf32>
    %dot_general3A_28 = arith.constant dense<0.000000e+00> : vector<2000x128xf32>
    %dot_general3A_29 = tpu.matmul %get3A_1, %get3A_27, %dot_general3A_28 {dimension_numbers = #tpu.dot_dimension_numbers<[1], [0], [0], [1], [0, 0, 1, 1], [], []>, transpose_lhs_hint = false} : vector<2000x128xf32>, vector<128x128xf32>, vector<2000x128xf32> -> vector<2000x128xf32>
    %get3A_30 = arith.constant 0 : index
    %get3A_31 = arith.constant 0 : index
    %get3A_32 = vector.load %arg7[%get3A_30, %get3A_31] : memref<1x128xf32, #tpu.memory_space<vmem>>, vector<1x128xf32>
    %add3A_33 = vector.broadcast %get3A_32 : vector<1x128xf32> to vector<2000x128xf32>
    %add3A_34 = arith.addf %dot_general3A_29, %add3A_33 : vector<2000x128xf32>
    %swap3A_35 = arith.constant 0 : index
    %swap3A_36 = arith.constant 0 : index
    %swap3A_37 = vector.load %arg10[%swap3A_35, %swap3A_36] : memref<2000x128xf32, #tpu.memory_space<vmem>>, vector<2000x128xf32>
    tpu.vector_store %arg10[%swap3A_35, %swap3A_36], %add3A_34 {strides = array<i32>} : memref<2000x128xf32, #tpu.memory_space<vmem>>, vector<2000x128xf32>,
    return
  }
  func.func @transform_0(%arg0: i32) -> (i32, i32) {
    %c0_i32 = arith.constant 0 : i32
    %c0_i32_0 = arith.constant 0 : i32
    return %arg0, %c0_i32 : i32, i32
  }
  func.func @transform_1(%arg0: i32) -> (i32, i32) {
    %c0_i32 = arith.constant 0 : i32
    %c0_i32_0 = arith.constant 0 : i32
    %c0_i32_1 = arith.constant 0 : i32
    return %c0_i32, %c0_i32_0 : i32, i32
  }
  func.func @transform_2(%arg0: i32) -> (i32, i32) {
    %c0_i32 = arith.constant 0 : i32
    %c0_i32_0 = arith.constant 0 : i32
    %c0_i32_1 = arith.constant 0 : i32
    return %c0_i32, %c0_i32_0 : i32, i32
  }
  func.func @transform_3(%arg0: i32) -> (i32, i32) {
    %c0_i32 = arith.constant 0 : i32
    %c0_i32_0 = arith.constant 0 : i32
    %c0_i32_1 = arith.constant 0 : i32
    return %c0_i32, %c0_i32_0 : i32, i32
  }
  func.func @transform_4(%arg0: i32) -> (i32, i32) {
    %c0_i32 = arith.constant 0 : i32
    %c0_i32_0 = arith.constant 0 : i32
    %c0_i32_1 = arith.constant 0 : i32
    return %c0_i32, %c0_i32_0 : i32, i32
  }
  func.func @transform_5(%arg0: i32) -> (i32, i32) {
    %c0_i32 = arith.constant 0 : i32
    %c0_i32_0 = arith.constant 0 : i32
    %c0_i32_1 = arith.constant 0 : i32
    return %c0_i32, %c0_i32_0 : i32, i32
  }
  func.func @transform_6(%arg0: i32) -> (i32, i32) {
    %c0_i32 = arith.constant 0 : i32
    %c0_i32_0 = arith.constant 0 : i32
    %c0_i32_1 = arith.constant 0 : i32
    return %c0_i32, %c0_i32_0 : i32, i32
  }
  func.func @transform_7(%arg0: i32) -> (i32, i32) {
    %c0_i32 = arith.constant 0 : i32
    %c0_i32_0 = arith.constant 0 : i32
    return %arg0, %c0_i32 : i32, i32
  }
  func.func @transform_8(%arg0: i32) -> (i32, i32) {
    %c0_i32 = arith.constant 0 : i32
    %c0_i32_0 = arith.constant 0 : i32
    return %arg0, %c0_i32 : i32, i32
  }
  func.func @transform_9(%arg0: i32) -> (i32, i32) {
    %c0_i32 = arith.constant 0 : i32
    %c0_i32_0 = arith.constant 0 : i32
    return %arg0, %c0_i32 : i32, i32
  }
}

module attributes {stable_mosaic.version = 14 : i64} {
  func.func @_post_block(%arg0: i32, %arg1: memref<2x2000x128xf32, #tpu.memory_space<vmem>>, %arg2: memref<2000x128xf32, #tpu.memory_space<vmem>>, %arg3: memref<2000x256xf32, #tpu.memory_space<vmem>>, %arg4: memref<2000x128xf32, #tpu.memory_space<vmem>>, %arg5: memref<128x256xf32, #tpu.memory_space<vmem>>, %arg6: memref<256x128xf32, #tpu.memory_space<vmem>>, %arg7: memref<2000x128xf32, #tpu.memory_space<vmem>>) attributes {dimension_semantics = [#tpu.dimension_semantics<arbitrary>], iteration_bounds = array<i64: 5>, scalar_prefetch = 0 : i64, scratch_operands = 0 : i64, tpu.core_type = #tpu.core_type<tc>, window_params = [{transform_indices = @transform_0, window_bounds = array<i64: 2, 2000, 128>}, {transform_indices = @transform_1, window_bounds = array<i64: 2000, 128>}, {transform_indices = @transform_2, window_bounds = array<i64: 2000, 256>}, {transform_indices = @transform_3, window_bounds = array<i64: 2000, 128>}, {pipeline_mode = #tpu.pipeline_mode<synchronous>, transform_indices = @transform_4, window_bounds = array<i64: 128, 256>}, {pipeline_mode = #tpu.pipeline_mode<synchronous>, transform_indices = @transform_5, window_bounds = array<i64: 256, 128>}, {transform_indices = @transform_6, window_bounds = array<i64: 2000, 128>}]} {
    %get3A = arith.constant 0 : index
    %get3A_0 = arith.constant 0 : index
    %get3A_1 = arith.constant 0 : index
    %get3A_2 = vector.load %arg1[%get3A, %get3A_0, %get3A_1] : memref<2x2000x128xf32, #tpu.memory_space<vmem>>, vector<1x2000x128xf32>
    %get3A_3 = vector.shape_cast %get3A_2 : vector<1x2000x128xf32> to vector<2000x128xf32>
    %get3A_4 = arith.constant 1 : index
    %get3A_5 = arith.constant 0 : index
    %get3A_6 = arith.constant 0 : index
    %get3A_7 = vector.load %arg1[%get3A_4, %get3A_5, %get3A_6] : memref<2x2000x128xf32, #tpu.memory_space<vmem>>, vector<1x2000x128xf32>
    %get3A_8 = vector.shape_cast %get3A_7 : vector<1x2000x128xf32> to vector<2000x128xf32>
    %add3A = arith.addf %get3A_3, %get3A_8 : vector<2000x128xf32>
    %get3A_9 = arith.constant 0 : index
    %get3A_10 = arith.constant 0 : index
    %get3A_11 = vector.load %arg2[%get3A_9, %get3A_10] : memref<2000x128xf32, #tpu.memory_space<vmem>>, vector<2000x128xf32>
    %add3A_12 = arith.addf %add3A, %get3A_11 : vector<2000x128xf32>
    %get3A_13 = arith.constant 0 : index
    %get3A_14 = arith.constant 0 : index
    %get3A_15 = vector.load %arg3[%get3A_13, %get3A_14] : memref<2000x256xf32, #tpu.memory_space<vmem>>, vector<2000x256xf32>
    %get3A_16 = arith.constant 0 : index
    %get3A_17 = arith.constant 0 : index
    %get3A_18 = vector.load %arg5[%get3A_16, %get3A_17] : memref<128x256xf32, #tpu.memory_space<vmem>>, vector<128x256xf32>
    %dot_general3A = arith.constant dense<0.000000e+00> : vector<2000x256xf32>
    %dot_general3A_19 = tpu.matmul %add3A_12, %get3A_18, %dot_general3A {dimension_numbers = #tpu.dot_dimension_numbers<[1], [0], [0], [1], [0, 0, 1, 1], [], []>, transpose_lhs_hint = false} : vector<2000x128xf32>, vector<128x256xf32>, vector<2000x256xf32> -> vector<2000x256xf32>
    %add3A_20 = arith.addf %get3A_15, %dot_general3A_19 : vector<2000x256xf32>
    %tanh3A = math.tanh %add3A_20 : vector<2000x256xf32>
    %get3A_21 = arith.constant 0 : index
    %get3A_22 = arith.constant 0 : index
    %get3A_23 = vector.load %arg4[%get3A_21, %get3A_22] : memref<2000x128xf32, #tpu.memory_space<vmem>>, vector<2000x128xf32>
    %get3A_24 = arith.constant 0 : index
    %get3A_25 = arith.constant 0 : index
    %get3A_26 = vector.load %arg6[%get3A_24, %get3A_25] : memref<256x128xf32, #tpu.memory_space<vmem>>, vector<256x128xf32>
    %dot_general3A_27 = arith.constant dense<0.000000e+00> : vector<2000x128xf32>
    %dot_general3A_28 = tpu.matmul %tanh3A, %get3A_26, %dot_general3A_27 {dimension_numbers = #tpu.dot_dimension_numbers<[1], [0], [0], [1], [0, 0, 1, 1], [], []>, transpose_lhs_hint = false} : vector<2000x256xf32>, vector<256x128xf32>, vector<2000x128xf32> -> vector<2000x128xf32>
    %add3A_29 = arith.addf %get3A_23, %dot_general3A_28 : vector<2000x128xf32>
    %swap3A = arith.constant 0 : index
    %swap3A_30 = arith.constant 0 : index
    %swap3A_31 = vector.load %arg7[%swap3A, %swap3A_30] : memref<2000x128xf32, #tpu.memory_space<vmem>>, vector<2000x128xf32>
    tpu.vector_store %arg7[%swap3A, %swap3A_30], %add3A_29 {strides = array<i32>} : memref<2000x128xf32, #tpu.memory_space<vmem>>, vector<2000x128xf32>,
    return
  }
  func.func @transform_0(%arg0: i32) -> (i32, i32, i32) {
    %c0_i32 = arith.constant 0 : i32
    %c0_i32_0 = arith.constant 0 : i32
    %c0_i32_1 = arith.constant 0 : i32
    return %c0_i32, %arg0, %c0_i32_0 : i32, i32, i32
  }
  func.func @transform_1(%arg0: i32) -> (i32, i32) {
    %c0_i32 = arith.constant 0 : i32
    %c0_i32_0 = arith.constant 0 : i32
    return %arg0, %c0_i32 : i32, i32
  }
  func.func @transform_2(%arg0: i32) -> (i32, i32) {
    %c0_i32 = arith.constant 0 : i32
    %c0_i32_0 = arith.constant 0 : i32
    return %arg0, %c0_i32 : i32, i32
  }
  func.func @transform_3(%arg0: i32) -> (i32, i32) {
    %c0_i32 = arith.constant 0 : i32
    %c0_i32_0 = arith.constant 0 : i32
    return %arg0, %c0_i32 : i32, i32
  }
  func.func @transform_4(%arg0: i32) -> (i32, i32) {
    %c0_i32 = arith.constant 0 : i32
    %c0_i32_0 = arith.constant 0 : i32
    %c0_i32_1 = arith.constant 0 : i32
    return %c0_i32, %c0_i32_0 : i32, i32
  }
  func.func @transform_5(%arg0: i32) -> (i32, i32) {
    %c0_i32 = arith.constant 0 : i32
    %c0_i32_0 = arith.constant 0 : i32
    %c0_i32_1 = arith.constant 0 : i32
    return %c0_i32, %c0_i32_0 : i32, i32
  }
  func.func @transform_6(%arg0: i32) -> (i32, i32) {
    %c0_i32 = arith.constant 0 : i32
    %c0_i32_0 = arith.constant 0 : i32
    return %arg0, %c0_i32 : i32, i32
  }
}

</mosaic_0001>

<sc_bundles>
// kernel: kernel.7.cloned.1.call-start
scs
__scs_entry_jumppad:
0x0: {  	(pc) =	sbr.rel $0x88, $3  }
0x1: {  	(tag) =	ssettag $0x0;
	lr =	simm.s32 $0x1  }
0x2: {  	[smem:$0x3F97] =	sst lr;
	_ =	strace $0xD0000000  }
0x3: {  	_ = 	snop  }
0x4: {  	_ = 	snop  }
0x5: {  	_ = 	snop  }
0x6: {  	_ = 	snop  }
0x7: {  	_ = 	snop  }
__scs_overlays_trampoline_lowered:
0x8: {  	[smem:$0x3FA6] =	sst s0  }
0x9: {  	[smem:$0x3FA7] =	sst s1  }
0xa: {  	[smem:$0x3FA8] =	sst s2  }
0xb: {  	[smem:$0x3FA9] =	sst s3  }
0xc: {  	[smem:$0x3FAA] =	sst s4  }
0xd: {  	[smem:$0x3FAB] =	sst s5  }
0xe: {  	[smem:$0x3FAC] =	sst s6  }
0xf: {  	[smem:$0x3FAD] =	sst s7  }
0x10: {  	[smem:$0x3FAE] =	sst s8  }
0x11: {  	[smem:$0x3FAF] =	sst s9;
	s0 =	simm.s32 @!p0 $0x0  }
0x12: {  	s1 =	sld [smem:$0x3F95];
	s0 =	simm.s32 @p0 $0x1  }
0x13: {  	[smem:$0x3FB0] =	sst s0;
	s0 =	simm.s32 @!p1 $0x0  }
0x14: {  	s2 =	sld [smem:$0x3F94];
	s0 =	simm.s32 @p1 $0x1  }
0x15: {  	[smem:$0x3FB1] =	sst s0;
	s0 =	simm.s32 @!p2 $0x0  }
0x16: {  	s3 =	sld [smem:$0x3FDB];
	s0 =	simm.s32 @p2 $0x1  }
0x17: {  	s4 =	simm.s32 $0x1BF5;
	[smem:$0x3FB3] =	sst s0  }
0x18: {  	s0 =	sld [smem:$0x3F96];
	_ =	swait.ge [sflag:s4], $0x0  }
0x19: {  	s7 =	sld [smem:$0x3F97]  }
0x1a: {  	s8 =	sadd.s32 $0xFFFFE003, lr  }
0x1b: {  	s9 =	sadd.s32 $0xFFFFFEF7, lr;
	s5 =	simm.s32 $0xFFFFFFFF;
	p2 =	slt.u32 s8, $0xFFFFF086  }
0x1c: {  	p1 =	slt.u32 s9, $0xF7A;
	s5 =	simm.s32 @!p2 $0x0  }
0x1d: {  	s5 =	simm.s32 @p1 $0x1;
	p0 =	seq.s32 s7, s2  }
0x1e: {  	s7 =	smul.u32 @!p0 $0xF7A, s2;
	p2 =	seq.s32 @!p0 s5, $0x0  }
0x1f: {  	s9 =	smul.u32 $0xF7A, s1;
	s8 =	simm.s32 @!p0 $0x1BF5;
	p2 =	por !p2, p0  }
0x20: {  	[sflag:s8] =	ssyncset.s32 @!p0 $0xFFFFF086;
	s6 =	sadd.s32 @!p0 s3, s7;
	s7 =	simm.s32 @!p0 $0x108  }
0x21: {  	s3 =	sadd.s32 s3, s9;
	s6 =	sadd.s32 @!p0 $0x88, s6;
	s7 =	simm.s32 @p2 $0x1082  }
0x22: {  	[simem:s7], [sflag:s8] =	dma.local @!p0 [hbm:s6], $0xF7A  }
0x23: {  	s9 =	sor.u32 $0xD0000000, s2;
	s6 =	simm.s32 $0x108;
	_ =	swait.ge @!p0 [sflag:s8], $0x0  }
0x24: {  	s3 =	sadd.s32 $0x88, s3;
	s6 =	simm.s32 @!p1 $0x1082;
	[sflag:s4] =	ssyncset.s32 $0xFFFFF086  }
0x25: {  	[simem:s6], [sflag:s4] =	dma.local [hbm:s3], $0xF7A  }
0x26: {  	[smem:$0x3F97] =	sst s1;
	(tag) =	ssettag s2;
	_ =	strace s9  }
0x27: {  	s1 =	sld [smem:$0x3FA7]  }
0x28: {  	s2 =	sld [smem:$0x3FA8]  }
0x29: {  	s4 =	sld [smem:$0x3FAA]  }
0x2a: {  	p0 =	seq.s32 s5, $0x0;
	s5 =	sld [smem:$0x3FAB]  }
0x2b: {  	s6 =	sld [smem:$0x3FAC]  }
0x2c: {  	s7 =	sld [smem:$0x3FAD]  }
0x2d: {  	s3 =	simm.s32 $0x108;
	s8 =	sld [smem:$0x3FAE]  }
0x2e: {  	s3 =	simm.s32 @!p0 $0x1082;
	s9 =	sld [smem:$0x3FAF]  }
0x2f: {  	lr =	sadd.s32 s0, s3;
	s0 =	sld [smem:$0x3FA6]  }
0x30: {  	s3 =	sld [smem:$0x3FA9]  }
0x31: {  	[smem:$0x3FB2] =	sst s10  }
0x32: {  	s10 =	sld [smem:$0x3FB0];
	_ =	sdelay $0x3  }
0x33: {  	p0 =	seq.s32 s10, $0x1;
	s10 =	sld [smem:$0x3FB2];
	_ =	sdelay $0x3  }
0x34: {  	[smem:$0x3FB2] =	sst s10  }
0x35: {  	s10 =	sld [smem:$0x3FB1];
	_ =	sdelay $0x3  }
0x36: {  	p1 =	seq.s32 s10, $0x1;
	s10 =	sld [smem:$0x3FB2];
	_ =	sdelay $0x3  }
0x37: {  	[smem:$0x3FB2] =	sst s10  }
0x38: {  	s10 =	sld [smem:$0x3FB3]  }
0x39: {  	_ = 	snop;
	(pc) =	sbr.ind lr, $3  }
0x3a: {  	_ = 	snop  }
0x3b: {  	_ = 	snop  }
0x3c: {  	p2 =	seq.s32 s10, $0x1;
	s10 =	sld [smem:$0x3FB2]  }
0x3d: {  	_ =	shalt  }
0x3e: {  	_ =	shalt  }
0x3f: {  	_ =	shalt  }
0x40: {  	_ =	shalt  }
0x41: {  	_ =	shalt  }
0x42: {  	_ =	shalt  }
0x43: {  	_ =	shalt  }
0x44: {  	_ =	shalt  }
0x45: {  	_ =	shalt  }
0x46: {  	_ =	shalt  }
0x47: {  	_ =	shalt  }
0x48: {  	_ =	shalt  }
0x49: {  	_ =	shalt  }
0x4a: {  	_ =	shalt  }
0x4b: {  	_ =	shalt  }
0x4c: {  	_ =	shalt  }
0x4d: {  	_ =	shalt  }
0x4e: {  	_ =	shalt  }
0x4f: {  	_ =	shalt  }
0x50: {  	_ =	shalt  }
0x51: {  	_ =	shalt  }
0x52: {  	_ =	shalt  }
0x53: {  	_ =	shalt  }
0x54: {  	_ =	shalt  }
0x55: {  	_ =	shalt  }
0x56: {  	_ =	shalt  }
0x57: {  	_ =	shalt  }
0x58: {  	_ =	shalt  }
0x59: {  	_ =	shalt  }
0x5a: {  	_ =	shalt  }
0x5b: {  	_ =	shalt  }
0x5c: {  	_ =	shalt  }
0x5d: {  	_ =	shalt  }
0x5e: {  	_ =	shalt  }
0x5f: {  	_ =	shalt  }
0x60: {  	_ =	shalt  }
0x61: {  	_ =	shalt  }
0x62: {  	_ =	shalt  }
0x63: {  	_ =	shalt  }
0x64: {  	_ =	shalt  }
0x65: {  	_ =	shalt  }
0x66: {  	_ =	shalt  }
0x67: {  	_ =	shalt  }
0x68: {  	_ =	shalt  }
0x69: {  	_ =	shalt  }
0x6a: {  	_ =	shalt  }
0x6b: {  	_ =	shalt  }
0x6c: {  	_ =	shalt  }
0x6d: {  	_ =	shalt  }
0x6e: {  	_ =	shalt  }
0x6f: {  	_ =	shalt  }
0x70: {  	_ =	shalt  }
0x71: {  	_ =	shalt  }
0x72: {  	_ =	shalt  }
0x73: {  	_ =	shalt  }
0x74: {  	_ =	shalt  }
0x75: {  	_ =	shalt  }
0x76: {  	_ =	shalt  }
0x77: {  	_ =	shalt  }
0x78: {  	_ =	shalt  }
0x79: {  	_ =	shalt  }
0x7a: {  	_ =	shalt  }
0x7b: {  	_ =	shalt  }
0x7c: {  	_ =	shalt  }
0x7d: {  	_ =	shalt  }
0x7e: {  	_ =	shalt  }
0x7f: {  	_ =	shalt  }
0x80: {  	_ =	shalt  }
0x81: {  	_ =	shalt  }
0x82: {  	_ =	shalt  }
0x83: {  	_ =	shalt  }
0x84: {  	_ =	shalt  }
0x85: {  	_ =	shalt  }
0x86: {  	_ =	shalt  }
0x87: {  	_ =	shalt  }
.Lfunc_end0:
.L_simem_size_0:
called_computation_lowered:
.L_overlay_start_0:
0x88: {  	s2 =	sld [smem:$0x3FD9]  }
0x89: {  	s3 =	sld [smem:$0x3FFE];
	_ =	sdelay $0x1  }
0x8a: {  	s1 =	srdreg.scid  }
0x8b: {  	s0 =	sand.u32 $0x1, s1  }
0x8c: {  	s17 =	sshll.u32 s0, $0xA;
	s2 =	sadd.s32 s3, s2  }
0x8d: {  	s2 =	sadd.s32 s2, s17  }
0x8e: {  	[smem:$0x3FBE] =	sst s2  }
0x8f: {  	_ = 	snop  }
0x90: {  	s2 =	sld [smem:$0x3FD0];
	(tm) =	ssettm $0x1  }
0x91: {  	s18 =	sld [smem:$0x3FFB];
	_ =	sdelay $0x3  }
0x92: {  	_ =	strace s18  }
0x93: {  	s3 =	sld [smem:$0x3FFC];
	_ =	sdelay $0x3  }
0x94: {  	_ =	strace s3  }
0x95: {  	s3 =	sld [smem:$0x3FFD];
	_ =	sdelay $0x3  }
0x96: {  	_ =	strace s3  }
0x97: {  	_ =	strace $0x8FFFFFFF  }
0x98: {  	s19 =	sld [smem:$0x3FDB];
	_ =	sdelay $0x1  }
0x99: {  	s4 =	simm.s32 $_scs_section_size  }
0x9a: {  	s5 =	simm.s32 $_size__tile_overlayer_lowered;
	s6 =	simm.s32 $_tile_overlayer_lowered  }
0x9b: {  	s22 =	simm.s32 $0x1BFF;
	s21 =	sshll.u32 s6, $0x1;
	s3 =	sadd.s32 s4, s19  }
0x9c: {  	s7 =	simm.s32 $0x0;
	s20 =	sshll.u32 s5, $0x1;
	s5 =	sadd.s32 s21, s3  }
0x9d: {  	[timem:s7], [sflag:s22] =	dma.local [hbm:s5], s20  }
0x9e: {  	_ =	swait.ge [sflag:s22], s20  }
0x9f: {  	s4 =	ssub.s32 $0x0, s20;
	[sflag:s22] =	ssyncset.done $0x0  }
0xa0: {  	[sflag:s22] =	ssyncadd.s32 s4;
	_ =	sdelay $0x1  }
0xa1: {  	s23 =	simm.s32 $0x1B8B  }
0xa2: {  	_ =	swait.ge [sflag:s23], $0x1  }
0xa3: {  	[sflag:s23] =	ssyncset.done $0x0  }
0xa4: {  	s25 =	simm.s32 $0x1B8E;
	s24 =	sld [smem:$0x3FFE];
	[sflag:s23] =	ssyncadd.s32 $0xFFFFFFFF  }
0xa5: {  	s26 =	simm.s32 $execute0_lowered;
	[smem:$0x3FD2] =	sst s25  }
0xa6: {  	s5 =	sshll.u32 s26, $0x1;
	_ =	strace $0x80000046;
	[dreg:$0x1] =	wrdreg $0xFFFFFFFF  }
0xa7: {  	s28 =	simm.s32 $_size_execute0_lowered;
	s3 =	sadd.s32 s3, s5;
	[dreg:$0x0] =	wrdreg $0x0  }
0xa8: {  	s5 =	sshll.u32 s28, $0x1;
	[dreg:$0x2] =	wrdreg s3  }
0xa9: {  	[dreg:$0x3] =	wrdreg s5  }
0xaa: {  	[dreg:$0x4] =	wrdreg $0xC0  }
0xab: {  	_ =	task [dreg:s7], $0x5FFFF  }
0xac: {  	[dreg:$0x1] =	wrdreg $0xFFFFFFFF  }
0xad: {  	[dreg:$0x0] =	wrdreg $0x60  }
0xae: {  	[dreg:$0x2] =	wrdreg s24  }
0xaf: {  	[dreg:$0x3] =	wrdreg s2  }
0xb0: {  	[dreg:$0x4] =	wrdreg $0x90000  }
0xb1: {  	[dreg:$0x5] =	wrdreg $0x9  }
0xb2: {  	_ =	task.clear_ibuf [dreg:s7], $0x6FFFF;
	_ =	strace $0x90000046  }
0xb3: {  	s29 =	simm.s32 $0x9;
	_ =	strace $0x80000048  }
0xb4: {  	_ =	swait.ge [sflag:s29], $0x1  }
0xb5: {  	[sflag:s29] =	ssyncadd.s32 $0xFFFFFFFF  }
0xb6: {  	_ =	strace $0x90000048  }
0xb7: {  	_ =	sfence  }
0xb8: {  	s30 =	sld [smem:$0x0];
	_ =	sdelay $0x2  }
0xb9: {  	s31 =	sshll.u32 s1, $0xD;
	s1 =	sshrl.u32 s1, $0x2  }
0xba: {  	s3 =	sand.u32 $0x4000, s31;
	s1 =	sadd.s32 s1, s30  }
0xbb: {  	s0 =	sor.u32 s3, s0;
	s1 =	sshll.u32 s1, $0x11  }
0xbc: {  	s0 =	sor.u32 s1, s0  }
0xbd: {  	s0 =	sadd.s32 $0x8F2B, s0  }
0xbe: {  	[sflag:s0] =	ssyncadd.remote.s32 $0x1  }
0xbf: {  	_ =	sfence.sel $0xFFFF  }
0xc0: {  	[dreg:$0x0] =	wrdreg $0xFFFFFFFF;
	(pc) =	sbr.abs _section_cstart, $3  }
0xc1: {  	[dreg:$0x1] =	wrdreg $0xFFFFFFFF  }
0xc2: {  	_ =	task.clear_ibuf [dreg:s7], $0x2FFFF;
	_ =	strace $0x9FFFFFFF  }
0xc3: {  	(tm) =	ssettm $0x7FFFFFFF  }
tec
execute0_lowered:
.L_overlay_start_1:
0x0: {  	(tag) =	ssettag $0x1  }
0x1: {  	s0 =	rddreg [dreg:$0x0]  }
0x2: {  	s11 =	rddreg [dreg:$0x1]  }
0x3: {  	s3 =	rddreg [dreg:$0x2];
	s1 =	simm.s32 $0x0  }
0x4: {  	s12 =	stileid.u32;
	s2 =	srdreg.scid;
	s28 =	simm.s32 $0x1  }
0x5: {  	s30 =	simm.s32 $0x2;
	s29 =	simm.s32 $0x580;
	s31 =	simm.s32 $0x600  }
0x6: {  	[smem:$0x7FF] =	sst s1;
	s15 =	smul.u32 $0x14000, s12;
	s5 =	sadd.s32 $0x2200, s0  }
0x7: {  	s2 =	sand.u32 $0x1, s2;
	s8 =	sshll.u32 s12, $0x1;
	s10 =	smul.u32 $0x50000, s12  }
0x8: {  	s6 =	sadd.s32 $0x13AA00, s0;
	s20 =	smul.u32 $0x5000, s12;
	s22 =	sshll.u32 s12, $0x6  }
0x9: {  	s12 =	simm.s32 $0xF80;
	_ =	strace $0x80000047;
	s7 =	smul.u32 $0x140000, s2  }
0xa: {  	s8 =	sor.u32 s2, s8;
	s16 =	ssub.s32 $0x2, s2;
	s2 =	smul.u32 $0x2800, s2  }
0xb: {  	s13 =	sor.u32 $0x1C05, s22;
	s22 =	simm.s32 $0xD00;
	s4 =	sshrl.u32 s15, $0x3  }
0xc: {  	s8 =	smul.u32 $0x2800, s8;
	s9 =	sshrl.u32 s16, $0x1;
	s19 =	sshrl.u32 s10, $0x2  }
0xd: {  	s10 =	simm.s32 $0x4;
	[dreg:$0x7] =	wrdreg s13;
	s4 =	sadd.s32 s4, s0  }
0xe: {  	s1 =	sadd.s32 s15, s7;
	s17 =	ssub.s32 s16, s9;
	s2 =	sadd.s32 s2, s20  }
0xf: {  	s20 =	simm.s32 $0x5;
	s9 =	simm.s32 $0x780;
	s1 =	sshrl.u32 s1, $0x3  }
0x10: {  	s18 =	sshrl.u32 s8, $0x3;
	s4 =	sadd.s32 $0x144A00, s4;
	s25 =	sor.u32 $0x400, s2  }
0x11: {  	s26 =	sadd.s32 $0x800, s2;
	s2 =	simm.s32 $0xE00;
	s0 =	sadd.s32 s1, s0  }
0x12: {  	s8 =	sadd.s32 s11, s18;
	s21 =	sadd.s32 s6, s18;
	[dreg:$0x6] =	wrdreg s4  }
0x13: {  	s7 =	sor.u32 $0x80, s18;
	s1 =	smax.u32 s17, $0x1;
	[dreg:$0xc] =	wrdreg s26  }
0x14: {  	s26 =	simm.s32 $0x5000;
	s18 =	simm.s32 $0xC80;
	[dreg:$0x4] =	wrdreg s8  }
0x15: {  	s4 =	simm.s32 $0x0;
	[dreg:$0x5] =	wrdreg s21;
	s8 =	sadd.s32 s19, s3  }
0x16: {  	s23 =	sadd.s32 s11, s7;
	s24 =	sadd.s32 s6, s7;
	[dreg:$0xb] =	wrdreg s1  }
0x17: {  	s0 =	sadd.s32 $0x16CA00, s0;
	s21 =	simm.s32 $0x3;
	[dreg:$0x8] =	wrdreg s23  }
.Ltmp0:
0x18: {  	s7 =	simm.s32 $0x700;
	[dreg:$0x9] =	wrdreg s24;
	(pc) =	sbr.rel .LBB2_1-.Ltmp0, $4  }
0x19: {  	[dreg:$0xa] =	wrdreg s0;
	s0 =	sshrl.u32 s25, $0x3;
	s15 =	sshrl.u32 s8, $0x3  }
0x1a: {  	s24 =	simm.s32 $0x80;
	s25 =	simm.s32 $0x1000;
	s23 =	simm.s32 $0xD80  }
0x1b: {  	s8 =	simm.s32 $0xE80;
	s16 =	sadd.s32 s0, s6;
	s17 =	sadd.s32 s0, s11  }
0x1c: {  	s0 =	simm.s32 $0x680;
	s11 =	simm.s32 $0xF00;
	[dreg:$0xd] =	wrdreg s15  }
.LBB2_4:
0x1d: {  	_ =	swait.ge [sflag:s30], $0x4000  }
0x1e: {  	[sflag:s30] =	ssyncset.done $0x0  }
0x1f: {  	[sflag:s30] =	ssyncadd.s32 $0xFFFFC000  }
0x20: {  	[spmem:s3] =	stream.indirect.scatter.add.f32 [tilespmem:s26], [sflag:$0x5], $0x80, s12, s24, $0xb8;
	[tilespmem:$0x1D000] =	vst v63  }
0x21: {  	_ =	swait.ge [sflag:s20], $0x4000  }
0x22: {  	[sflag:s20] =	ssyncset.done $0x0  }
0x23: {  	[sflag:s20] =	ssyncadd.s32 $0xFFFFC000  }
0x24: {  	[bflag:$0x0] =	sbarrier.arrive $0xFFFF  }
0x25: {  	s13 =	rddreg [dreg:$0x7]  }
0x26: {  	s1 =	rddreg [dreg:$0xa]  }
0x27: {  	s15 =	rddreg [dreg:$0xd]  }
0x28: {  	[hbm:s1], [sflag:s13] =	dma.local [spmem:s15], $0x2800  }
0x29: {  	_ =	swait.ge [sflag:s20], $0x2800  }
0x2a: {  	s4 =	rddreg [dreg:$0xe]  }
0x2b: {  	s19 =	rddreg [dreg:$0xb];
	s4 =	sadd.s32 $0x1, s4  }
0x2c: {  	p0 =	sne.s32 s4, s19  }
.Ltmp1:
0x2d: {  	_ = 	snop;
	(pc) =	sbr.rel @!p0 .LBB2_5-.Ltmp1, $3  }
0x2e: {  	_ =	sdelay $0x1  }
0x2f: {  	[sflag:s20] =	ssyncset.done $0x0  }
0x30: {  	[sflag:s20] =	ssyncadd.s32 $0xFFFFD800  }
.LBB2_1:
0x31: {  	[dreg:$0xe] =	wrdreg s4  }
0x32: {  	s1 =	simm.s32 $0x0;
	s14 =	rddreg [dreg:$0x4]  }
0x33: {  	[tilespmem:s1], [sflag:$0x3] =	stream.linear.gather [hbm4b:s14+s1], $0x400, $0x38;
	[tilespmem:$0x1D000] =	vst v63  }
0x34: {  	s19 =	rddreg [dreg:$0x5];
	s14 =	simm.s32 $0x800  }
0x35: {  	[tilespmem:s14], [sflag:$0x3] =	stream.linear.gather [hbm4b:s19+s1], $0x400, $0x38;
	[tilespmem:$0x1D000] =	vst v63  }
0x36: {  	s19 =	rddreg [dreg:$0x6]  }
0x37: {  	[spmem:s15], [sflag:s13] =	dma.local [hbm:s19], $0x2800  }
0x38: {  	_ =	swait.ge [sflag:s20], $0x2800  }
0x39: {  	[sflag:s20] =	ssyncset.done $0x0  }
0x3a: {  	[sflag:s20] =	ssyncadd.s32 $0xFFFFD800  }
0x3b: {  	_ =	swait.ge [sflag:s21], $0x400  }
0x3c: {  	[sflag:s21] =	ssyncset.done $0x0  }
0x3d: {  	[sflag:s21] =	ssyncadd.s32 $0xFFFFFC00  }
0x3e: {  	_ =	swait.ge [sflag:s21], $0x400  }
0x3f: {  	[sflag:s21] =	ssyncset.done $0x0  }
0x40: {  	s14 =	simm.s32 $0x400;
	s13 =	rddreg [dreg:$0x8];
	[sflag:s21] =	ssyncadd.s32 $0xFFFFFC00  }
0x41: {  	[tilespmem:s14], [sflag:$0x4] =	stream.linear.gather [hbm4b:s13+s1], $0x400, $0x38;
	[tilespmem:$0x1D000] =	vst v63  }
0x42: {  	s19 =	simm.s32 $0xC00;
	s15 =	rddreg [dreg:$0x9]  }
0x43: {  	[tilespmem:s19], [sflag:$0x4] =	stream.linear.gather [hbm4b:s15+s1], $0x400, $0x38;
	[tilespmem:$0x1D000] =	vst v63  }
0x44: {  	[bflag:$0x0] =	sbarrier.arrive $0xFFFF  }
0x45: {  	[tilespmem:s25], [sflag:$0x1] =	stream.indirect.gather [hbm4b:s5+s24], $0x80, s1, s24, $0xb8;
	[tilespmem:$0x1D000] =	vst v63  }
0x46: {  	s4 =	simm.s32 $0x0;
	s13 =	simm.s32 $0x0;
	s14 =	rddreg [dreg:$0xc]  }
0x47: {  	[tilespmem:s26], [sflag:$0x2] =	stream.indirect.gather [hbm4b:s5+s24], $0x80, s24, s24, $0xb8;
	[tilespmem:$0x1D000] =	vst v63  }
.LBB2_2:
0x48: {  	p0 =	seq.s32 s13, $0x0  }
0x49: {  	s15 =	sadd.s32 @!p0 s13, s17;
	s19 =	simm.s32 @!p0 $0x0;
	s1 =	simm.s32 @!p0 $0x400  }
0x4a: {  	[tilespmem:s1], [sflag:$0x4] =	stream.linear.gather @!p0 [hbm4b:s15+s19], $0x400, $0x38;
	[tilespmem:$0x1D000] =	vst v63  }
0x4b: {  	s1 =	sadd.s32 @!p0 s13, s16;
	s15 =	simm.s32 @!p0 $0xC00  }
0x4c: {  	[tilespmem:s15], [sflag:$0x4] =	stream.linear.gather @!p0 [hbm4b:s1+s19], $0x400, $0x38;
	[tilespmem:$0x1D000] =	vst v63  }
0x4d: {  	_ =	swait.ge [sflag:s28], $0x4000  }
0x4e: {  	[sflag:s28] =	ssyncset.done $0x0  }
0x4f: {  	s15 =	simm.s32 $0x800;
	[sflag:s28] =	ssyncadd.s32 $0xFFFFC000  }
0x50: {  	[spmem:s3] =	stream.indirect.scatter.add.f32 [tilespmem:s25], [sflag:$0x5], $0x80, s15, s24, $0xb8;
	[tilespmem:$0x1D000] =	vst v63  }
0x51: {  	_ =	swait.ge [sflag:s20], $0x4000  }
0x52: {  	[sflag:s20] =	ssyncset.done $0x0  }
0x53: {  	s19 =	simm.s32 $0x100;
	[sflag:s20] =	ssyncadd.s32 $0xFFFFC000  }
0x54: {  	[tilespmem:s25], [sflag:$0x1] =	stream.indirect.gather [hbm4b:s5+s24], $0x80, s19, s24, $0xb8;
	[tilespmem:$0x1D000] =	vst v63  }
0x55: {  	_ =	swait.ge [sflag:s30], $0x4000  }
0x56: {  	[sflag:s30] =	ssyncset.done $0x0  }
0x57: {  	s15 =	simm.s32 $0x880;
	[sflag:s30] =	ssyncadd.s32 $0xFFFFC000  }
0x58: {  	[spmem:s3] =	stream.indirect.scatter.add.f32 [tilespmem:s26], [sflag:$0x5], $0x80, s15, s24, $0xb8;
	[tilespmem:$0x1D000] =	vst v63  }
0x59: {  	_ =	swait.ge [sflag:s20], $0x4000  }
0x5a: {  	[sflag:s20] =	ssyncset.done $0x0  }
0x5b: {  	s19 =	simm.s32 $0x180;
	[sflag:s20] =	ssyncadd.s32 $0xFFFFC000  }
0x5c: {  	[tilespmem:s26], [sflag:$0x2] =	stream.indirect.gather [hbm4b:s5+s24], $0x80, s19, s24, $0xb8;
	[tilespmem:$0x1D000] =	vst v63  }
0x5d: {  	_ =	swait.ge [sflag:s28], $0x4000  }
0x5e: {  	[sflag:s28] =	ssyncset.done $0x0  }
0x5f: {  	s15 =	simm.s32 $0x900;
	[sflag:s28] =	ssyncadd.s32 $0xFFFFC000  }
0x60: {  	[spmem:s3] =	stream.indirect.scatter.add.f32 [tilespmem:s25], [sflag:$0x5], $0x80, s15, s24, $0xb8;
	[tilespmem:$0x1D000] =	vst v63  }
0x61: {  	_ =	swait.ge [sflag:s20], $0x4000  }
0x62: {  	[sflag:s20] =	ssyncset.done $0x0  }
0x63: {  	s19 =	simm.s32 $0x200;
	[sflag:s20] =	ssyncadd.s32 $0xFFFFC000  }
0x64: {  	[tilespmem:s25], [sflag:$0x1] =	stream.indirect.gather [hbm4b:s5+s24], $0x80, s19, s24, $0xb8;
	[tilespmem:$0x1D000] =	vst v63  }
0x65: {  	_ =	swait.ge [sflag:s30], $0x4000  }
0x66: {  	[sflag:s30] =	ssyncset.done $0x0  }
0x67: {  	s15 =	simm.s32 $0x980;
	[sflag:s30] =	ssyncadd.s32 $0xFFFFC000  }
0x68: {  	[spmem:s3] =	stream.indirect.scatter.add.f32 [tilespmem:s26], [sflag:$0x5], $0x80, s15, s24, $0xb8;
	[tilespmem:$0x1D000] =	vst v63  }
0x69: {  	_ =	swait.ge [sflag:s20], $0x4000  }
0x6a: {  	[sflag:s20] =	ssyncset.done $0x0  }
0x6b: {  	s19 =	simm.s32 $0x280;
	[sflag:s20] =	ssyncadd.s32 $0xFFFFC000  }
0x6c: {  	[tilespmem:s26], [sflag:$0x2] =	stream.indirect.gather [hbm4b:s5+s24], $0x80, s19, s24, $0xb8;
	[tilespmem:$0x1D000] =	vst v63  }
0x6d: {  	_ =	swait.ge [sflag:s28], $0x4000  }
0x6e: {  	[sflag:s28] =	ssyncset.done $0x0  }
0x6f: {  	s15 =	simm.s32 $0xA00;
	[sflag:s28] =	ssyncadd.s32 $0xFFFFC000  }
0x70: {  	[spmem:s3] =	stream.indirect.scatter.add.f32 [tilespmem:s25], [sflag:$0x5], $0x80, s15, s24, $0xb8;
	[tilespmem:$0x1D000] =	vst v63  }
0x71: {  	_ =	swait.ge [sflag:s20], $0x4000  }
0x72: {  	[sflag:s20] =	ssyncset.done $0x0  }
0x73: {  	s19 =	simm.s32 $0x300;
	[sflag:s20] =	ssyncadd.s32 $0xFFFFC000  }
0x74: {  	[tilespmem:s25], [sflag:$0x1] =	stream.indirect.gather [hbm4b:s5+s24], $0x80, s19, s24, $0xb8;
	[tilespmem:$0x1D000] =	vst v63  }
0x75: {  	_ =	swait.ge [sflag:s30], $0x4000  }
0x76: {  	[sflag:s30] =	ssyncset.done $0x0  }
0x77: {  	s15 =	simm.s32 $0xA80;
	[sflag:s30] =	ssyncadd.s32 $0xFFFFC000  }
0x78: {  	[spmem:s3] =	stream.indirect.scatter.add.f32 [tilespmem:s26], [sflag:$0x5], $0x80, s15, s24, $0xb8;
	[tilespmem:$0x1D000] =	vst v63  }
0x79: {  	_ =	swait.ge [sflag:s20], $0x4000  }
0x7a: {  	[sflag:s20] =	ssyncset.done $0x0  }
0x7b: {  	s19 =	simm.s32 $0x380;
	[sflag:s20] =	ssyncadd.s32 $0xFFFFC000  }
0x7c: {  	[tilespmem:s26], [sflag:$0x2] =	stream.indirect.gather [hbm4b:s5+s24], $0x80, s19, s24, $0xb8;
	[tilespmem:$0x1D000] =	vst v63  }
0x7d: {  	_ =	swait.ge [sflag:s28], $0x4000  }
0x7e: {  	[sflag:s28] =	ssyncset.done $0x0  }
0x7f: {  	s15 =	simm.s32 $0xB00;
	[sflag:s28] =	ssyncadd.s32 $0xFFFFC000  }
0x80: {  	[spmem:s3] =	stream.indirect.scatter.add.f32 [tilespmem:s25], [sflag:$0x5], $0x80, s15, s24, $0xb8;
	[tilespmem:$0x1D000] =	vst v63  }
0x81: {  	_ =	swait.ge [sflag:s20], $0x4000  }
0x82: {  	[sflag:s20] =	ssyncset.done $0x0  }
0x83: {  	[sflag:s20] =	ssyncadd.s32 $0xFFFFC000  }
0x84: {  	_ =	swait.ge [sflag:s10], $0x400  }
0x85: {  	[sflag:s10] =	ssyncset.done $0x0  }
0x86: {  	[sflag:s10] =	ssyncadd.s32 $0xFFFFFC00  }
0x87: {  	_ =	swait.ge [sflag:s10], $0x400  }
0x88: {  	[sflag:s10] =	ssyncset.done $0x0  }
0x89: {  	s19 =	simm.s32 $0x400;
	[sflag:s10] =	ssyncadd.s32 $0xFFFFFC00  }
0x8a: {  	[tilespmem:s25], [sflag:$0x1] =	stream.indirect.gather [hbm4b:s5+s24], $0x80, s19, s24, $0xb8;
	[tilespmem:$0x1D000] =	vst v63  }
0x8b: {  	_ =	swait.ge [sflag:s30], $0x4000  }
0x8c: {  	[sflag:s30] =	ssyncset.done $0x0  }
0x8d: {  	s15 =	simm.s32 $0xB80;
	[sflag:s30] =	ssyncadd.s32 $0xFFFFC000  }
0x8e: {  	[spmem:s3] =	stream.indirect.scatter.add.f32 [tilespmem:s26], [sflag:$0x5], $0x80, s15, s24, $0xb8;
	[tilespmem:$0x1D000] =	vst v63  }
0x8f: {  	_ =	swait.ge [sflag:s20], $0x4000  }
0x90: {  	[sflag:s20] =	ssyncset.done $0x0  }
0x91: {  	p0 =	seq.s32 s13, $0x400;
	s19 =	simm.s32 $0x480;
	[sflag:s20] =	ssyncadd.s32 $0xFFFFC000  }
0x92: {  	[tilespmem:s26], [sflag:$0x2] =	stream.indirect.gather [hbm4b:s5+s24], $0x80, s19, s24, $0xb8;
	[tilespmem:$0x1D000] =	vst v63  }
0x93: {  	s1 =	sshrl.u32 @!p0 s14, $0x3;
	s15 =	rddreg [dreg:$0x1]  }
0x94: {  	s19 =	simm.s32 @!p0 $0x0;
	s15 =	sadd.s32 @!p0 s15, s1  }
0x95: {  	[tilespmem:s19], [sflag:$0x3] =	stream.linear.gather @!p0 [hbm4b:s15+s19], $0x400, $0x38;
	[tilespmem:$0x1D000] =	vst v63  }
0x96: {  	s1 =	sadd.s32 @!p0 s6, s1;
	s15 =	simm.s32 @!p0 $0x800  }
0x97: {  	[tilespmem:s15], [sflag:$0x3] =	stream.linear.gather @!p0 [hbm4b:s1+s19], $0x400, $0x38;
	[tilespmem:$0x1D000] =	vst v63  }
0x98: {  	_ =	swait.ge [sflag:s28], $0x4000  }
0x99: {  	[sflag:s28] =	ssyncset.done $0x0  }
0x9a: {  	s15 =	simm.s32 $0xC00;
	[sflag:s28] =	ssyncadd.s32 $0xFFFFC000  }
0x9b: {  	[spmem:s3] =	stream.indirect.scatter.add.f32 [tilespmem:s25], [sflag:$0x5], $0x80, s15, s24, $0xb8;
	[tilespmem:$0x1D000] =	vst v63  }
0x9c: {  	_ =	swait.ge [sflag:s20], $0x4000  }
0x9d: {  	[sflag:s20] =	ssyncset.done $0x0  }
0x9e: {  	s19 =	simm.s32 $0x500;
	[sflag:s20] =	ssyncadd.s32 $0xFFFFC000  }
0x9f: {  	[tilespmem:s25], [sflag:$0x1] =	stream.indirect.gather [hbm4b:s5+s24], $0x80, s19, s24, $0xb8;
	[tilespmem:$0x1D000] =	vst v63  }
0xa0: {  	_ =	swait.ge [sflag:s30], $0x4000  }
0xa1: {  	[sflag:s30] =	ssyncset.done $0x0  }
0xa2: {  	[sflag:s30] =	ssyncadd.s32 $0xFFFFC000  }
0xa3: {  	[spmem:s3] =	stream.indirect.scatter.add.f32 [tilespmem:s26], [sflag:$0x5], $0x80, s18, s24, $0xb8;
	[tilespmem:$0x1D000] =	vst v63  }
0xa4: {  	_ =	swait.ge [sflag:s20], $0x4000  }
0xa5: {  	[sflag:s20] =	ssyncset.done $0x0  }
0xa6: {  	[sflag:s20] =	ssyncadd.s32 $0xFFFFC000  }
0xa7: {  	[tilespmem:s26], [sflag:$0x2] =	stream.indirect.gather [hbm4b:s5+s24], $0x80, s29, s24, $0xb8;
	[tilespmem:$0x1D000] =	vst v63  }
0xa8: {  	_ =	swait.ge [sflag:s28], $0x4000  }
0xa9: {  	[sflag:s28] =	ssyncset.done $0x0  }
0xaa: {  	[sflag:s28] =	ssyncadd.s32 $0xFFFFC000  }
0xab: {  	[spmem:s3] =	stream.indirect.scatter.add.f32 [tilespmem:s25], [sflag:$0x5], $0x80, s22, s24, $0xb8;
	[tilespmem:$0x1D000] =	vst v63  }
0xac: {  	_ =	swait.ge [sflag:s20], $0x4000  }
0xad: {  	[sflag:s20] =	ssyncset.done $0x0  }
0xae: {  	[sflag:s20] =	ssyncadd.s32 $0xFFFFC000  }
0xaf: {  	[tilespmem:s25], [sflag:$0x1] =	stream.indirect.gather [hbm4b:s5+s24], $0x80, s31, s24, $0xb8;
	[tilespmem:$0x1D000] =	vst v63  }
0xb0: {  	_ =	swait.ge [sflag:s30], $0x4000  }
0xb1: {  	[sflag:s30] =	ssyncset.done $0x0  }
0xb2: {  	[sflag:s30] =	ssyncadd.s32 $0xFFFFC000  }
0xb3: {  	[spmem:s3] =	stream.indirect.scatter.add.f32 [tilespmem:s26], [sflag:$0x5], $0x80, s23, s24, $0xb8;
	[tilespmem:$0x1D000] =	vst v63  }
0xb4: {  	_ =	swait.ge [sflag:s20], $0x4000  }
0xb5: {  	[sflag:s20] =	ssyncset.done $0x0  }
0xb6: {  	[sflag:s20] =	ssyncadd.s32 $0xFFFFC000  }
0xb7: {  	[tilespmem:s26], [sflag:$0x2] =	stream.indirect.gather [hbm4b:s5+s24], $0x80, s0, s24, $0xb8;
	[tilespmem:$0x1D000] =	vst v63  }
0xb8: {  	_ =	swait.ge [sflag:s28], $0x4000  }
0xb9: {  	[sflag:s28] =	ssyncset.done $0x0  }
0xba: {  	[sflag:s28] =	ssyncadd.s32 $0xFFFFC000  }
0xbb: {  	[spmem:s3] =	stream.indirect.scatter.add.f32 [tilespmem:s25], [sflag:$0x5], $0x80, s2, s24, $0xb8;
	[tilespmem:$0x1D000] =	vst v63  }
0xbc: {  	_ =	swait.ge [sflag:s20], $0x4000  }
0xbd: {  	[sflag:s20] =	ssyncset.done $0x0  }
0xbe: {  	[sflag:s20] =	ssyncadd.s32 $0xFFFFC000  }
0xbf: {  	[tilespmem:s25], [sflag:$0x1] =	stream.indirect.gather [hbm4b:s5+s24], $0x80, s7, s24, $0xb8;
	[tilespmem:$0x1D000] =	vst v63  }
0xc0: {  	_ =	swait.ge [sflag:s30], $0x4000  }
0xc1: {  	[sflag:s30] =	ssyncset.done $0x0  }
0xc2: {  	[sflag:s30] =	ssyncadd.s32 $0xFFFFC000  }
0xc3: {  	[spmem:s3] =	stream.indirect.scatter.add.f32 [tilespmem:s26], [sflag:$0x5], $0x80, s8, s24, $0xb8;
	[tilespmem:$0x1D000] =	vst v63  }
0xc4: {  	_ =	swait.ge [sflag:s20], $0x4000  }
0xc5: {  	[sflag:s20] =	ssyncset.done $0x0  }
0xc6: {  	[sflag:s20] =	ssyncadd.s32 $0xFFFFC000  }
0xc7: {  	[tilespmem:s26], [sflag:$0x2] =	stream.indirect.gather [hbm4b:s5+s24], $0x80, s9, s24, $0xb8;
	[tilespmem:$0x1D000] =	vst v63  }
0xc8: {  	_ =	swait.ge [sflag:s28], $0x4000  }
0xc9: {  	[sflag:s28] =	ssyncset.done $0x0  }
.Ltmp2:
0xca: {  	[sflag:s28] =	ssyncadd.s32 $0xFFFFC000;
	(pc) =	sbr.rel @p0 .LBB2_4-.Ltmp2, $4  }
0xcb: {  	[spmem:s3] =	stream.indirect.scatter.add.f32 [tilespmem:s25], [sflag:$0x5], $0x80, s11, s24, $0xb8;
	[tilespmem:$0x1D000] =	vst v63  }
0xcc: {  	_ =	swait.ge [sflag:s20], $0x4000  }
0xcd: {  	[sflag:s20] =	ssyncset.done $0x0  }
0xce: {  	[sflag:s20] =	ssyncadd.s32 $0xFFFFC000  }
0xcf: {  	_ =	swait.ge [sflag:s21], $0x400  }
0xd0: {  	[sflag:s21] =	ssyncset.done $0x0  }
0xd1: {  	[sflag:s21] =	ssyncadd.s32 $0xFFFFFC00  }
0xd2: {  	_ =	swait.ge [sflag:s21], $0x400  }
0xd3: {  	[sflag:s21] =	ssyncset.done $0x0  }
0xd4: {  	[sflag:s21] =	ssyncadd.s32 $0xFFFFFC00  }
0xd5: {  	[tilespmem:s25], [sflag:$0x1] =	stream.indirect.gather [hbm4b:s5+s24], $0x80, s4, s24, $0xb8;
	[tilespmem:$0x1D000] =	vst v63  }
0xd6: {  	_ =	swait.ge [sflag:s30], $0x4000  }
0xd7: {  	[sflag:s30] =	ssyncset.done $0x0  }
0xd8: {  	[sflag:s30] =	ssyncadd.s32 $0xFFFFC000  }
0xd9: {  	[spmem:s3] =	stream.indirect.scatter.add.f32 [tilespmem:s26], [sflag:$0x5], $0x80, s12, s24, $0xb8;
	[tilespmem:$0x1D000] =	vst v63  }
.Ltmp3:
0xda: {  	_ = 	snop;
	(pc) =	sbr.rel .LBB2_2-.Ltmp3, $4  }
0xdb: {  	_ =	swait.ge [sflag:s20], $0x4000  }
0xdc: {  	[sflag:s20] =	ssyncset.done $0x0  }
0xdd: {  	s14 =	sadd.s32 $0x800, s14;
	s13 =	sadd.s32 $0x100, s13;
	[sflag:s20] =	ssyncadd.s32 $0xFFFFC000  }
0xde: {  	[tilespmem:s26], [sflag:$0x2] =	stream.indirect.gather [hbm4b:s5+s24], $0x80, s24, s24, $0xb8;
	[tilespmem:$0x1D000] =	vst v63  }
.LBB2_5:
0xdf: {  	_ =	sfence.sel $0x180000  }
0xe0: {  	[bflag:$0x0] =	sbarrier.arrive $0xFFFF  }
0xe1: {  	_ =	strace $0x90000047  }
0xe2: {  	s0 =	stileid.u32;
	[bflag:$0x2] =	sbarrier.arrive $0xFFFF  }
0xe3: {  	p0 =	sne.s32 s0, $0x0;
	s0 =	rddreg [dreg:$0x3]  }
0xe4: {  	s0 =	sadd.s32 @!p0 $0x100000, s0  }
0xe5: {  	[sflag:s0] =	ssyncadd.tile.s32 @!p0 $0x1;
	_ =	shalt  }
.Lfunc_end2:
_tile_overlayer_lowered:
.L_overlay_start_2:
0xe6: {  	(tag) =	ssettag $0x2  }
0xe7: {  	s0 =	rddreg [dreg:$0x0];
	s2 =	stileid.u32  }
0xe8: {  	s1 =	rddreg [dreg:$0x1];
	p0 =	sne.s32 s2, $0x0  }
0xe9: {  	s3 =	rddreg [dreg:$0x2];
	[bflag:$0x3] =	sbarrier.arrive $0xFFFF;
	s2 =	simm.s32 @!p0 $0x1C05  }
0xea: {  	[timem:s3], [sflag:s2] =	dma.local @!p0 [hbm:s0], s1  }
0xeb: {  	s0 =	simm.s32 @!p0 $0x5  }
0xec: {  	_ =	swait.ge @!p0 [sflag:s0], s1  }
0xed: {  	s1 =	ssub.s32 @!p0 $0x0, s1;
	[sflag:s0] =	ssyncset.done @!p0 $0x0  }
0xee: {  	[sflag:s0] =	ssyncadd.s32 @!p0 s1  }
0xef: {  	[bflag:$0x3] =	sbarrier.arrive $0xFFFF  }
0xf0: {  	_ =	shalt  }

</sc_bundles>
